<compile_context>
chip_gen: v7x
topology: tpu7x:2x2x1
jax: 0.10.2.dev20260603
libtpu: 0.0.44.dev20260713+nightly
codegen_flags: <defaults>
</compile_context>

<pallas_src>
import functools

import jax
import jax.numpy as jnp
from jax import lax
from jax.experimental import pallas as pl
from jax.experimental.pallas import tpu as pltpu
from jax.experimental.pallas import tpu_sc as plsc

VOCAB = 1000000
EMBED = 64
OUT = 2
PAD = 0
L = 200
B = 4096

DPROJ = 16
NC, NS = 2, 16
NW = NC * NS
B_PER_W = B // NW
CB = 16
ROWS = CB * L
NCHUNK = B_PER_W // CB

_BLK = 8192


def _project_body(wt_ref, xt_ref, o_ref):
    p = jnp.dot(wt_ref[...], xt_ref[...], preferred_element_type=jnp.float32)
    p = jnp.where(
        (pl.program_id(0) == 0)
        & (jax.lax.broadcasted_iota(jnp.int32, p.shape, 1) == PAD),
        0.0, p)
    o_ref[...] = p


_project = pl.pallas_call(
    _project_body,
    grid=(pl.cdiv(VOCAB, _BLK),),
    in_specs=[
        pl.BlockSpec((DPROJ, EMBED), lambda i: (0, 0)),
        pl.BlockSpec((EMBED, _BLK), lambda i: (0, i)),
    ],
    out_specs=pl.BlockSpec((DPROJ, _BLK), lambda i: (0, i)),
    out_shape=jax.ShapeDtypeStruct((DPROJ, VOCAB), jnp.float32),
)

_mesh = plsc.VectorSubcoreMesh(core_axis_name="c", subcore_axis_name="s")


@functools.partial(
    pl.kernel,
    mesh=_mesh,
    compiler_params=pltpu.CompilerParams(use_tc_tiling_on_sc=False),
    out_type=jax.ShapeDtypeStruct((B, DPROJ), jnp.float32),
    scratch_types=[
        pltpu.VMEM((B_PER_W * L,), jnp.int32),
        pltpu.VMEM((2, ROWS, DPROJ), jnp.float32),
        pltpu.VMEM((CB, DPROJ), jnp.float32),
        pltpu.VMEM((DPROJ,), jnp.float32),
        pltpu.SemaphoreType.DMA,
        pltpu.SemaphoreType.DMA,
    ],
)
def _pool(idx_hbm, proj_hbm, bias_hbm, out_hbm,
          idx_v, rows_v, out_v, bias_v, sem0, sem1):
    wid = lax.axis_index("s") * NC + lax.axis_index("c")
    tok_base = wid * (B_PER_W * L)
    pltpu.sync_copy(idx_hbm.at[pl.ds(tok_base, B_PER_W * L)], idx_v)
    pltpu.sync_copy(bias_hbm, bias_v)
    bias = bias_v[...]
    scale = jnp.float32(1.0 / L)
    sems = (sem0, sem1)

    copies = [None, None]
    copies[0] = pltpu.async_copy(
        proj_hbm.at[idx_v.at[pl.ds(0, ROWS)]], rows_v.at[0], sems[0])
    for c in range(NCHUNK):
        buf = c % 2
        if c + 1 < NCHUNK:
            nb = (c + 1) % 2
            copies[nb] = pltpu.async_copy(
                proj_hbm.at[idx_v.at[pl.ds((c + 1) * ROWS, ROWS)]],
                rows_v.at[nb], sems[nb])
        copies[buf].wait()
        rows = rows_v.at[buf]

        def bbody(b, _, rows=rows):
            def lbody(j, acc):
                r0 = b * L + j * 8
                for u in range(8):
                    acc = acc + rows[r0 + u, :]
                return acc
            acc = lax.fori_loop(0, L // 8, lbody,
                                jnp.zeros((DPROJ,), jnp.float32))
            out_v[b, :] = acc * scale + bias
            return 0

        lax.fori_loop(0, CB, bbody, 0)
        pltpu.sync_copy(out_v, out_hbm.at[pl.ds(wid * B_PER_W + c * CB, CB)])


def kernel(text, emb_table, fc_w, fc_b):
    idx = text.astype(jnp.int32).T.reshape(-1)
    w16t = jnp.zeros((DPROJ, EMBED), jnp.float32).at[:OUT, :].set(fc_w)
    projt = _project(w16t, emb_table.T)
    proj = projt.T
    bias16 = jnp.zeros((DPROJ,), jnp.float32).at[:OUT].set(fc_b)
    out16 = _pool(idx, proj, bias16)
    return out16[:, :OUT]

# --- scband reference (transcript-rebuilt; emitter-appended) ---
"""Pipeline reference for scband-fast-text-5153960755490 (READ-ONLY COPY).

The authoritative reference and input builder live on the scoring server;
editing this copy changes nothing except your own understanding.
"""

import jax, jax.numpy as jnp
import numpy as np

VOCAB = 1000000
EMBED = 64
OUT = 2
PAD = 0
L = 200
B = 4096


def setup_inputs(seed: int = 0) -> dict:
    key = jax.random.key(seed)
    k1, k2, k3 = jax.random.split(key, 3)
    text = jax.random.randint(k1, (L, B), 0, VOCAB, dtype=jnp.int64 if jax.config.jax_enable_x64 else jnp.int32)
    emb_table = jax.random.normal(k2, (VOCAB, EMBED), dtype=jnp.float32) * 0.02
    fc_w = jax.random.normal(k3, (OUT, EMBED), dtype=jnp.float32) * 0.02
    fc_b = jnp.zeros((OUT,), dtype=jnp.float32)
    return {"text": text, "emb_table": emb_table, "fc_w": fc_w, "fc_b": fc_b}


def reference(text, emb_table, fc_w, fc_b):
    # nn.Embedding with padding_idx: row PAD is forced to zero
    table = emb_table.at[PAD].set(0.0)
    # embedding lookup: [L, B] -> [L, B, D]
    embedded = jnp.take(table, text, axis=0)
    # permute(1, 0, 2): [B, L, D]
    embedded = jnp.transpose(embedded, (1, 0, 2))
    # avg_pool2d over (L, 1) then squeeze(1) == mean over sequence dim
    pooled = jnp.mean(embedded, axis=1)  # [B, D]
    # fc: Linear(embed_dim, output_dim)
    return pooled @ fc_w.T + fc_b

if __name__ == "__main__":
    import jax
    _d = setup_inputs()
    print(jax.jit(kernel)(*tuple(_d.values())))

</pallas_src>

<mosaic_0001>
#map = affine_map<(d0, d1) -> (0)>
#map1 = affine_map<(d0, d1) -> (0, 0)>
module attributes {stable_mosaic.version = 14 : i64} {
  func.func @_pool(%arg0: i32, %arg1: i32, %arg2: memref<819200xi32, #tpu.memory_space<hbm>>, %arg3: memref<1000000x16xf32, #tpu.memory_space<hbm>>, %arg4: memref<16xf32, #tpu.memory_space<hbm>>, %arg5: memref<4096x16xf32, #tpu.memory_space<hbm>>, %arg6: memref<25600xi32, #tpu.memory_space<vmem>>, %arg7: memref<2x3200x16xf32, #tpu.memory_space<vmem>>, %arg8: memref<16x16xf32, #tpu.memory_space<vmem>>, %arg9: memref<16xf32, #tpu.memory_space<vmem>>, %arg10: memref<!tpu.dma_semaphore, #tpu.memory_space<semaphore_mem>>, %arg11: memref<!tpu.dma_semaphore, #tpu.memory_space<semaphore_mem>>) attributes {dimension_semantics = [#tpu.dimension_semantics<core_parallel>, #tpu.dimension_semantics<subcore_parallel>], iteration_bounds = array<i64: 2, 16>, scalar_prefetch = 0 : i64, scratch_operands = 6 : i64, tpu.core_type = #tpu.core_type<sc_vector_subcore>, window_params = [{transform_indices = #map}, {transform_indices = #map1}, {transform_indices = #map}, {transform_indices = #map1}]} {
    %mul3A = arith.constant 2 : i32
    %mul3A_0 = arith.muli %arg1, %mul3A : i32
    %add3A = arith.addi %mul3A_0, %arg0 : i32
    %mul3A_1 = arith.constant 25600 : i32
    %mul3A_2 = arith.muli %add3A, %mul3A_1 : i32
    "tpu.region"() ({
      %run_scoped3A = tpu.sem_alloc : memref<!tpu.dma_semaphore, #tpu.memory_space<semaphore_mem>>
      %dma_start3A_266 = tpu.memref_slice %arg2[%mul3A_2] : memref<819200xi32, #tpu.memory_space<hbm>> -> memref<25600xi32, #tpu.memory_space<hbm>>
      %dma_start3A_267 = tpu.memref_slice %arg2[%mul3A_2] : memref<819200xi32, #tpu.memory_space<hbm>> -> memref<25600xi32, #tpu.memory_space<hbm>>
      tpu.enqueue_dma source(%dma_start3A_267 : memref<25600xi32, #tpu.memory_space<hbm>>) target(%arg6 : memref<25600xi32, #tpu.memory_space<vmem>>) target_semaphore(%run_scoped3A : memref<!tpu.dma_semaphore, #tpu.memory_space<semaphore_mem>>)
      %dma_wait3A_268 = tpu.memref_slice %arg2[%mul3A_2] : memref<819200xi32, #tpu.memory_space<hbm>> -> memref<25600xi32, #tpu.memory_space<hbm>>
      %dma_wait3A_269 = tpu.memref_slice %arg2[%mul3A_2] : memref<819200xi32, #tpu.memory_space<hbm>> -> memref<25600xi32, #tpu.memory_space<hbm>>
      tpu.wait_dma2 semaphore(%run_scoped3A : memref<!tpu.dma_semaphore, #tpu.memory_space<semaphore_mem>>) src(%dma_wait3A_269 : memref<25600xi32, #tpu.memory_space<hbm>>) dst(%arg6 : memref<25600xi32, #tpu.memory_space<vmem>>)
      tpu.yield
    }) : () -> ()
    "tpu.region"() ({
      %run_scoped3A = tpu.sem_alloc : memref<!tpu.dma_semaphore, #tpu.memory_space<semaphore_mem>>
      tpu.enqueue_dma source(%arg4 : memref<16xf32, #tpu.memory_space<hbm>>) target(%arg9 : memref<16xf32, #tpu.memory_space<vmem>>) target_semaphore(%run_scoped3A : memref<!tpu.dma_semaphore, #tpu.memory_space<semaphore_mem>>)
      tpu.wait_dma2 semaphore(%run_scoped3A : memref<!tpu.dma_semaphore, #tpu.memory_space<semaphore_mem>>) src(%arg4 : memref<16xf32, #tpu.memory_space<hbm>>) dst(%arg9 : memref<16xf32, #tpu.memory_space<vmem>>)
      tpu.yield
    }) : () -> ()
    %get3A = arith.constant 0 : index
    %get3A_3 = tpu.vector_load %arg9[%get3A] {strides = array<i32>} : memref<16xf32, #tpu.memory_space<vmem>>, vector<16xf32>,
    %get3A_4 = vector.shape_cast %get3A_3 : vector<16xf32> to vector<16xf32>
    %dma_start3A = arith.constant 0 : i32
    %dma_start3A_5 = arith.constant 0 : i32
    %dma_start3A_6 = arith.constant 0 : i32
    %dma_start3A_7 = tpu.memref_slice %arg7[%dma_start3A, %dma_start3A_5, %dma_start3A_6] : memref<2x3200x16xf32, #tpu.memory_space<vmem>> -> memref<1x3200x16xf32, #tpu.memory_space<vmem>>
    %dma_start3A_8 = tpu.memref_squeeze %dma_start3A_7 : memref<1x3200x16xf32, #tpu.memory_space<vmem>> -> memref<3200x16xf32, #tpu.memory_space<vmem>>
    %dma_start3A_9 = arith.constant 0 : i32
    %dma_start3A_10 = tpu.memref_slice %arg6[%dma_start3A_9] : memref<25600xi32, #tpu.memory_space<vmem>> -> memref<3200xi32, #tpu.memory_space<vmem>>
    %dma_start3A_11 = arith.constant 0 : i32
    %dma_start3A_12 = arith.constant 0 : i32
    %dma_start3A_13 = tpu.memref_slice %arg3[%dma_start3A_11, %dma_start3A_12] : memref<1000000x16xf32, #tpu.memory_space<hbm>> -> memref<1000000x16xf32, #tpu.memory_space<hbm>>
    tpu.enqueue_indirect_dma source(%dma_start3A_13 : memref<1000000x16xf32, #tpu.memory_space<hbm>>) target(%dma_start3A_8 : memref<3200x16xf32, #tpu.memory_space<vmem>>) offsets(%dma_start3A_10 : memref<3200xi32, #tpu.memory_space<vmem>>) semaphore(%arg10 : memref<!tpu.dma_semaphore, #tpu.memory_space<semaphore_mem>>)
    %dma_start3A_14 = arith.constant 1 : i32
    %dma_start3A_15 = arith.constant 0 : i32
    %dma_start3A_16 = arith.constant 0 : i32
    %dma_start3A_17 = tpu.memref_slice %arg7[%dma_start3A_14, %dma_start3A_15, %dma_start3A_16] : memref<2x3200x16xf32, #tpu.memory_space<vmem>> -> memref<1x3200x16xf32, #tpu.memory_space<vmem>>
    %dma_start3A_18 = tpu.memref_squeeze %dma_start3A_17 : memref<1x3200x16xf32, #tpu.memory_space<vmem>> -> memref<3200x16xf32, #tpu.memory_space<vmem>>
    %dma_start3A_19 = arith.constant 3200 : i32
    %dma_start3A_20 = tpu.memref_slice %arg6[%dma_start3A_19] : memref<25600xi32, #tpu.memory_space<vmem>> -> memref<3200xi32, #tpu.memory_space<vmem>>
    %dma_start3A_21 = arith.constant 0 : i32
    %dma_start3A_22 = arith.constant 0 : i32
    %dma_start3A_23 = tpu.memref_slice %arg3[%dma_start3A_21, %dma_start3A_22] : memref<1000000x16xf32, #tpu.memory_space<hbm>> -> memref<1000000x16xf32, #tpu.memory_space<hbm>>
    tpu.enqueue_indirect_dma source(%dma_start3A_23 : memref<1000000x16xf32, #tpu.memory_space<hbm>>) target(%dma_start3A_18 : memref<3200x16xf32, #tpu.memory_space<vmem>>) offsets(%dma_start3A_20 : memref<3200xi32, #tpu.memory_space<vmem>>) semaphore(%arg11 : memref<!tpu.dma_semaphore, #tpu.memory_space<semaphore_mem>>)
    %dma_wait3A = arith.constant 0 : i32
    %dma_wait3A_24 = arith.constant 0 : i32
    %dma_wait3A_25 = arith.constant 0 : i32
    %dma_wait3A_26 = tpu.memref_slice %arg7[%dma_wait3A, %dma_wait3A_24, %dma_wait3A_25] : memref<2x3200x16xf32, #tpu.memory_space<vmem>> -> memref<1x3200x16xf32, #tpu.memory_space<vmem>>
    %dma_wait3A_27 = tpu.memref_squeeze %dma_wait3A_26 : memref<1x3200x16xf32, #tpu.memory_space<vmem>> -> memref<3200x16xf32, #tpu.memory_space<vmem>>
    %dma_wait3A_28 = arith.constant 0 : i32
    %dma_wait3A_29 = tpu.memref_slice %arg6[%dma_wait3A_28] : memref<25600xi32, #tpu.memory_space<vmem>> -> memref<3200xi32, #tpu.memory_space<vmem>>
    %dma_wait3A_30 = arith.constant 0 : i32
    %dma_wait3A_31 = arith.constant 0 : i32
    %dma_wait3A_32 = tpu.memref_slice %arg3[%dma_wait3A_30, %dma_wait3A_31] : memref<1000000x16xf32, #tpu.memory_space<hbm>> -> memref<1000000x16xf32, #tpu.memory_space<hbm>>
    tpu.wait_indirect_dma semaphore(%arg10 : memref<!tpu.dma_semaphore, #tpu.memory_space<semaphore_mem>>) src(%dma_wait3A_32 : memref<1000000x16xf32, #tpu.memory_space<hbm>>) dst(%dma_wait3A_27 : memref<3200x16xf32, #tpu.memory_space<vmem>>)
    %scan3A = arith.constant 0 : i32
    %scan3A_33 = arith.constant 5.000000e-03 : f32
    %scan3A_34 = arith.constant 0 : i32
    %scan3A_35 = arith.constant 0 : i32
    %scan3A_36 = arith.constant 16 : i32
    %scan3A_37 = arith.addi %scan3A_35, %scan3A_36 : i32
    %scan3A_38 = arith.constant 1 : i32
    %scan3A_39 = scf.for %scan3A_266 = %scan3A_35 to %scan3A_37 step %scan3A_38 iter_args(%scan3A_267 = %scan3A_34) -> (i32)  : i32 {
      %broadcast_in_dim3A = arith.constant 0.000000e+00 : f32
      %broadcast_in_dim3A_268 = vector.broadcast %broadcast_in_dim3A : f32 to vector<16xf32>
      %scan3A_269 = arith.constant 0 : i32
      %scan3A_270 = arith.constant 25 : i32
      %scan3A_271 = arith.addi %scan3A_269, %scan3A_270 : i32
      %scan3A_272 = arith.constant 1 : i32
      %scan3A_273 = scf.for %scan3A_283 = %scan3A_269 to %scan3A_271 step %scan3A_272 iter_args(%scan3A_284 = %broadcast_in_dim3A_268) -> (vector<16xf32>)  : i32 {
        %mul3A_285 = arith.constant 200 : i32
        %mul3A_286 = arith.muli %scan3A_266, %mul3A_285 : i32
        %mul3A_287 = arith.constant 8 : i32
        %mul3A_288 = arith.muli %scan3A_283, %mul3A_287 : i32
        %add3A_289 = arith.addi %mul3A_286, %mul3A_288 : i32
        %add3A_290 = arith.constant 0 : i32
        %add3A_291 = arith.addi %add3A_289, %add3A_290 : i32
        %get3A_292 = arith.constant 0 : i32
        %get3A_293 = arith.constant 0 : i32
        %get3A_294 = tpu.memref_slice %arg7[%scan3A, %get3A_292, %get3A_293] : memref<2x3200x16xf32, #tpu.memory_space<vmem>> -> memref<1x3200x16xf32, #tpu.memory_space<vmem>>
        %get3A_295 = tpu.memref_squeeze %get3A_294 : memref<1x3200x16xf32, #tpu.memory_space<vmem>> -> memref<3200x16xf32, #tpu.memory_space<vmem>>
        %get3A_296 = arith.index_cast %add3A_291 : i32 to index
        %get3A_297 = arith.constant 0 : index
        %get3A_298 = tpu.vector_load %get3A_295[%get3A_296, %get3A_297] {strides = array<i32>} : memref<3200x16xf32, #tpu.memory_space<vmem>>, vector<1x16xf32>,
        %get3A_299 = vector.shape_cast %get3A_298 : vector<1x16xf32> to vector<16xf32>
        %add3A_300 = arith.addf %scan3A_284, %get3A_299 : vector<16xf32>
        %add3A_301 = arith.constant 1 : i32
        %add3A_302 = arith.addi %add3A_289, %add3A_301 : i32
        %get3A_303 = arith.constant 0 : i32
        %get3A_304 = arith.constant 0 : i32
        %get3A_305 = tpu.memref_slice %arg7[%scan3A, %get3A_303, %get3A_304] : memref<2x3200x16xf32, #tpu.memory_space<vmem>> -> memref<1x3200x16xf32, #tpu.memory_space<vmem>>
        %get3A_306 = tpu.memref_squeeze %get3A_305 : memref<1x3200x16xf32, #tpu.memory_space<vmem>> -> memref<3200x16xf32, #tpu.memory_space<vmem>>
        %get3A_307 = arith.index_cast %add3A_302 : i32 to index
        %get3A_308 = arith.constant 0 : index
        %get3A_309 = tpu.vector_load %get3A_306[%get3A_307, %get3A_308] {strides = array<i32>} : memref<3200x16xf32, #tpu.memory_space<vmem>>, vector<1x16xf32>,
        %get3A_310 = vector.shape_cast %get3A_309 : vector<1x16xf32> to vector<16xf32>
        %add3A_311 = arith.addf %add3A_300, %get3A_310 : vector<16xf32>
        %add3A_312 = arith.constant 2 : i32
        %add3A_313 = arith.addi %add3A_289, %add3A_312 : i32
        %get3A_314 = arith.constant 0 : i32
        %get3A_315 = arith.constant 0 : i32
        %get3A_316 = tpu.memref_slice %arg7[%scan3A, %get3A_314, %get3A_315] : memref<2x3200x16xf32, #tpu.memory_space<vmem>> -> memref<1x3200x16xf32, #tpu.memory_space<vmem>>
        %get3A_317 = tpu.memref_squeeze %get3A_316 : memref<1x3200x16xf32, #tpu.memory_space<vmem>> -> memref<3200x16xf32, #tpu.memory_space<vmem>>
        %get3A_318 = arith.index_cast %add3A_313 : i32 to index
        %get3A_319 = arith.constant 0 : index
        %get3A_320 = tpu.vector_load %get3A_317[%get3A_318, %get3A_319] {strides = array<i32>} : memref<3200x16xf32, #tpu.memory_space<vmem>>, vector<1x16xf32>,
        %get3A_321 = vector.shape_cast %get3A_320 : vector<1x16xf32> to vector<16xf32>
        %add3A_322 = arith.addf %add3A_311, %get3A_321 : vector<16xf32>
        %add3A_323 = arith.constant 3 : i32
        %add3A_324 = arith.addi %add3A_289, %add3A_323 : i32
        %get3A_325 = arith.constant 0 : i32
        %get3A_326 = arith.constant 0 : i32
        %get3A_327 = tpu.memref_slice %arg7[%scan3A, %get3A_325, %get3A_326] : memref<2x3200x16xf32, #tpu.memory_space<vmem>> -> memref<1x3200x16xf32, #tpu.memory_space<vmem>>
        %get3A_328 = tpu.memref_squeeze %get3A_327 : memref<1x3200x16xf32, #tpu.memory_space<vmem>> -> memref<3200x16xf32, #tpu.memory_space<vmem>>
        %get3A_329 = arith.index_cast %add3A_324 : i32 to index
        %get3A_330 = arith.constant 0 : index
        %get3A_331 = tpu.vector_load %get3A_328[%get3A_329, %get3A_330] {strides = array<i32>} : memref<3200x16xf32, #tpu.memory_space<vmem>>, vector<1x16xf32>,
        %get3A_332 = vector.shape_cast %get3A_331 : vector<1x16xf32> to vector<16xf32>
        %add3A_333 = arith.addf %add3A_322, %get3A_332 : vector<16xf32>
        %add3A_334 = arith.constant 4 : i32
        %add3A_335 = arith.addi %add3A_289, %add3A_334 : i32
        %get3A_336 = arith.constant 0 : i32
        %get3A_337 = arith.constant 0 : i32
        %get3A_338 = tpu.memref_slice %arg7[%scan3A, %get3A_336, %get3A_337] : memref<2x3200x16xf32, #tpu.memory_space<vmem>> -> memref<1x3200x16xf32, #tpu.memory_space<vmem>>
        %get3A_339 = tpu.memref_squeeze %get3A_338 : memref<1x3200x16xf32, #tpu.memory_space<vmem>> -> memref<3200x16xf32, #tpu.memory_space<vmem>>
        %get3A_340 = arith.index_cast %add3A_335 : i32 to index
        %get3A_341 = arith.constant 0 : index
        %get3A_342 = tpu.vector_load %get3A_339[%get3A_340, %get3A_341] {strides = array<i32>} : memref<3200x16xf32, #tpu.memory_space<vmem>>, vector<1x16xf32>,
        %get3A_343 = vector.shape_cast %get3A_342 : vector<1x16xf32> to vector<16xf32>
        %add3A_344 = arith.addf %add3A_333, %get3A_343 : vector<16xf32>
        %add3A_345 = arith.constant 5 : i32
        %add3A_346 = arith.addi %add3A_289, %add3A_345 : i32
        %get3A_347 = arith.constant 0 : i32
        %get3A_348 = arith.constant 0 : i32
        %get3A_349 = tpu.memref_slice %arg7[%scan3A, %get3A_347, %get3A_348] : memref<2x3200x16xf32, #tpu.memory_space<vmem>> -> memref<1x3200x16xf32, #tpu.memory_space<vmem>>
        %get3A_350 = tpu.memref_squeeze %get3A_349 : memref<1x3200x16xf32, #tpu.memory_space<vmem>> -> memref<3200x16xf32, #tpu.memory_space<vmem>>
        %get3A_351 = arith.index_cast %add3A_346 : i32 to index
        %get3A_352 = arith.constant 0 : index
        %get3A_353 = tpu.vector_load %get3A_350[%get3A_351, %get3A_352] {strides = array<i32>} : memref<3200x16xf32, #tpu.memory_space<vmem>>, vector<1x16xf32>,
        %get3A_354 = vector.shape_cast %get3A_353 : vector<1x16xf32> to vector<16xf32>
        %add3A_355 = arith.addf %add3A_344, %get3A_354 : vector<16xf32>
        %add3A_356 = arith.constant 6 : i32
        %add3A_357 = arith.addi %add3A_289, %add3A_356 : i32
        %get3A_358 = arith.constant 0 : i32
        %get3A_359 = arith.constant 0 : i32
        %get3A_360 = tpu.memref_slice %arg7[%scan3A, %get3A_358, %get3A_359] : memref<2x3200x16xf32, #tpu.memory_space<vmem>> -> memref<1x3200x16xf32, #tpu.memory_space<vmem>>
        %get3A_361 = tpu.memref_squeeze %get3A_360 : memref<1x3200x16xf32, #tpu.memory_space<vmem>> -> memref<3200x16xf32, #tpu.memory_space<vmem>>
        %get3A_362 = arith.index_cast %add3A_357 : i32 to index
        %get3A_363 = arith.constant 0 : index
        %get3A_364 = tpu.vector_load %get3A_361[%get3A_362, %get3A_363] {strides = array<i32>} : memref<3200x16xf32, #tpu.memory_space<vmem>>, vector<1x16xf32>,
        %get3A_365 = vector.shape_cast %get3A_364 : vector<1x16xf32> to vector<16xf32>
        %add3A_366 = arith.addf %add3A_355, %get3A_365 : vector<16xf32>
        %add3A_367 = arith.constant 7 : i32
        %add3A_368 = arith.addi %add3A_289, %add3A_367 : i32
        %get3A_369 = arith.constant 0 : i32
        %get3A_370 = arith.constant 0 : i32
        %get3A_371 = tpu.memref_slice %arg7[%scan3A, %get3A_369, %get3A_370] : memref<2x3200x16xf32, #tpu.memory_space<vmem>> -> memref<1x3200x16xf32, #tpu.memory_space<vmem>>
        %get3A_372 = tpu.memref_squeeze %get3A_371 : memref<1x3200x16xf32, #tpu.memory_space<vmem>> -> memref<3200x16xf32, #tpu.memory_space<vmem>>
        %get3A_373 = arith.index_cast %add3A_368 : i32 to index
        %get3A_374 = arith.constant 0 : index
        %get3A_375 = tpu.vector_load %get3A_372[%get3A_373, %get3A_374] {strides = array<i32>} : memref<3200x16xf32, #tpu.memory_space<vmem>>, vector<1x16xf32>,
        %get3A_376 = vector.shape_cast %get3A_375 : vector<1x16xf32> to vector<16xf32>
        %add3A_377 = arith.addf %add3A_366, %get3A_376 : vector<16xf32>
        scf.yield %add3A_377 : vector<16xf32>
      }
      %scan3A_274 = arith.constant 25 : i32
      %mul3A_275 = vector.broadcast %scan3A_33 : f32 to vector<16xf32>
      %mul3A_276 = arith.mulf %scan3A_273, %mul3A_275 : vector<16xf32>
      %add3A_277 = arith.addf %mul3A_276, %get3A_4 : vector<16xf32>
      %swap3A = arith.index_cast %scan3A_266 : i32 to index
      %swap3A_278 = arith.constant 0 : index
      %swap3A_279 = tpu.vector_load %arg8[%swap3A, %swap3A_278] {strides = array<i32>} : memref<16x16xf32, #tpu.memory_space<vmem>>, vector<1x16xf32>,
      %swap3A_280 = vector.shape_cast %swap3A_279 : vector<1x16xf32> to vector<16xf32>
      %swap3A_281 = vector.shape_cast %add3A_277 : vector<16xf32> to vector<1x16xf32>
      tpu.vector_store %arg8[%swap3A, %swap3A_278], %swap3A_281 {strides = array<i32>} : memref<16x16xf32, #tpu.memory_space<vmem>>, vector<1x16xf32>,
      %scan3A_282 = arith.constant 0 : i32
      scf.yield %scan3A_282 : i32
    }
    %scan3A_40 = arith.constant 16 : i32
    %mul3A_41 = arith.constant 128 : i32
    %mul3A_42 = arith.muli %add3A, %mul3A_41 : i32
    %add3A_43 = arith.constant 0 : i32
    %add3A_44 = arith.addi %mul3A_42, %add3A_43 : i32
    "tpu.region"() ({
      %run_scoped3A = tpu.sem_alloc : memref<!tpu.dma_semaphore, #tpu.memory_space<semaphore_mem>>
      %dma_start3A_266 = arith.constant 0 : i32
      %dma_start3A_267 = tpu.memref_slice %arg5[%add3A_44, %dma_start3A_266] : memref<4096x16xf32, #tpu.memory_space<hbm>> -> memref<16x16xf32, #tpu.memory_space<hbm>>
      %dma_start3A_268 = arith.constant 0 : i32
      %dma_start3A_269 = tpu.memref_slice %arg5[%add3A_44, %dma_start3A_268] : memref<4096x16xf32, #tpu.memory_space<hbm>> -> memref<16x16xf32, #tpu.memory_space<hbm>>
      tpu.enqueue_dma source(%arg8 : memref<16x16xf32, #tpu.memory_space<vmem>>) target(%dma_start3A_269 : memref<16x16xf32, #tpu.memory_space<hbm>>) target_semaphore(%run_scoped3A : memref<!tpu.dma_semaphore, #tpu.memory_space<semaphore_mem>>)
      %dma_wait3A_270 = arith.constant 0 : i32
      %dma_wait3A_271 = tpu.memref_slice %arg5[%add3A_44, %dma_wait3A_270] : memref<4096x16xf32, #tpu.memory_space<hbm>> -> memref<16x16xf32, #tpu.memory_space<hbm>>
      %dma_wait3A_272 = arith.constant 0 : i32
      %dma_wait3A_273 = tpu.memref_slice %arg5[%add3A_44, %dma_wait3A_272] : memref<4096x16xf32, #tpu.memory_space<hbm>> -> memref<16x16xf32, #tpu.memory_space<hbm>>
      tpu.wait_dma2 semaphore(%run_scoped3A : memref<!tpu.dma_semaphore, #tpu.memory_space<semaphore_mem>>) src(%arg8 : memref<16x16xf32, #tpu.memory_space<vmem>>) dst(%dma_wait3A_273 : memref<16x16xf32, #tpu.memory_space<hbm>>)
      tpu.yield
    }) : () -> ()
    %dma_start3A_45 = arith.constant 0 : i32
    %dma_start3A_46 = arith.constant 0 : i32
    %dma_start3A_47 = arith.constant 0 : i32
    %dma_start3A_48 = tpu.memref_slice %arg7[%dma_start3A_45, %dma_start3A_46, %dma_start3A_47] : memref<2x3200x16xf32, #tpu.memory_space<vmem>> -> memref<1x3200x16xf32, #tpu.memory_space<vmem>>
    %dma_start3A_49 = tpu.memref_squeeze %dma_start3A_48 : memref<1x3200x16xf32, #tpu.memory_space<vmem>> -> memref<3200x16xf32, #tpu.memory_space<vmem>>
    %dma_start3A_50 = arith.constant 6400 : i32
    %dma_start3A_51 = tpu.memref_slice %arg6[%dma_start3A_50] : memref<25600xi32, #tpu.memory_space<vmem>> -> memref<3200xi32, #tpu.memory_space<vmem>>
    %dma_start3A_52 = arith.constant 0 : i32
    %dma_start3A_53 = arith.constant 0 : i32
    %dma_start3A_54 = tpu.memref_slice %arg3[%dma_start3A_52, %dma_start3A_53] : memref<1000000x16xf32, #tpu.memory_space<hbm>> -> memref<1000000x16xf32, #tpu.memory_space<hbm>>
    tpu.enqueue_indirect_dma source(%dma_start3A_54 : memref<1000000x16xf32, #tpu.memory_space<hbm>>) target(%dma_start3A_49 : memref<3200x16xf32, #tpu.memory_space<vmem>>) offsets(%dma_start3A_51 : memref<3200xi32, #tpu.memory_space<vmem>>) semaphore(%arg10 : memref<!tpu.dma_semaphore, #tpu.memory_space<semaphore_mem>>)
    %dma_wait3A_55 = arith.constant 1 : i32
    %dma_wait3A_56 = arith.constant 0 : i32
    %dma_wait3A_57 = arith.constant 0 : i32
    %dma_wait3A_58 = tpu.memref_slice %arg7[%dma_wait3A_55, %dma_wait3A_56, %dma_wait3A_57] : memref<2x3200x16xf32, #tpu.memory_space<vmem>> -> memref<1x3200x16xf32, #tpu.memory_space<vmem>>
    %dma_wait3A_59 = tpu.memref_squeeze %dma_wait3A_58 : memref<1x3200x16xf32, #tpu.memory_space<vmem>> -> memref<3200x16xf32, #tpu.memory_space<vmem>>
    %dma_wait3A_60 = arith.constant 3200 : i32
    %dma_wait3A_61 = tpu.memref_slice %arg6[%dma_wait3A_60] : memref<25600xi32, #tpu.memory_space<vmem>> -> memref<3200xi32, #tpu.memory_space<vmem>>
    %dma_wait3A_62 = arith.constant 0 : i32
    %dma_wait3A_63 = arith.constant 0 : i32
    %dma_wait3A_64 = tpu.memref_slice %arg3[%dma_wait3A_62, %dma_wait3A_63] : memref<1000000x16xf32, #tpu.memory_space<hbm>> -> memref<1000000x16xf32, #tpu.memory_space<hbm>>
    tpu.wait_indirect_dma semaphore(%arg11 : memref<!tpu.dma_semaphore, #tpu.memory_space<semaphore_mem>>) src(%dma_wait3A_64 : memref<1000000x16xf32, #tpu.memory_space<hbm>>) dst(%dma_wait3A_59 : memref<3200x16xf32, #tpu.memory_space<vmem>>)
    %scan3A_65 = arith.constant 1 : i32
    %scan3A_66 = arith.constant 5.000000e-03 : f32
    %scan3A_67 = arith.constant 0 : i32
    %scan3A_68 = arith.constant 0 : i32
    %scan3A_69 = arith.constant 16 : i32
    %scan3A_70 = arith.addi %scan3A_68, %scan3A_69 : i32
    %scan3A_71 = arith.constant 1 : i32
    %scan3A_72 = scf.for %scan3A_266 = %scan3A_68 to %scan3A_70 step %scan3A_71 iter_args(%scan3A_267 = %scan3A_67) -> (i32)  : i32 {
      %broadcast_in_dim3A = arith.constant 0.000000e+00 : f32
      %broadcast_in_dim3A_268 = vector.broadcast %broadcast_in_dim3A : f32 to vector<16xf32>
      %scan3A_269 = arith.constant 0 : i32
      %scan3A_270 = arith.constant 25 : i32
      %scan3A_271 = arith.addi %scan3A_269, %scan3A_270 : i32
      %scan3A_272 = arith.constant 1 : i32
      %scan3A_273 = scf.for %scan3A_283 = %scan3A_269 to %scan3A_271 step %scan3A_272 iter_args(%scan3A_284 = %broadcast_in_dim3A_268) -> (vector<16xf32>)  : i32 {
        %mul3A_285 = arith.constant 200 : i32
        %mul3A_286 = arith.muli %scan3A_266, %mul3A_285 : i32
        %mul3A_287 = arith.constant 8 : i32
        %mul3A_288 = arith.muli %scan3A_283, %mul3A_287 : i32
        %add3A_289 = arith.addi %mul3A_286, %mul3A_288 : i32
        %add3A_290 = arith.constant 0 : i32
        %add3A_291 = arith.addi %add3A_289, %add3A_290 : i32
        %get3A_292 = arith.constant 0 : i32
        %get3A_293 = arith.constant 0 : i32
        %get3A_294 = tpu.memref_slice %arg7[%scan3A_65, %get3A_292, %get3A_293] : memref<2x3200x16xf32, #tpu.memory_space<vmem>> -> memref<1x3200x16xf32, #tpu.memory_space<vmem>>
        %get3A_295 = tpu.memref_squeeze %get3A_294 : memref<1x3200x16xf32, #tpu.memory_space<vmem>> -> memref<3200x16xf32, #tpu.memory_space<vmem>>
        %get3A_296 = arith.index_cast %add3A_291 : i32 to index
        %get3A_297 = arith.constant 0 : index
        %get3A_298 = tpu.vector_load %get3A_295[%get3A_296, %get3A_297] {strides = array<i32>} : memref<3200x16xf32, #tpu.memory_space<vmem>>, vector<1x16xf32>,
        %get3A_299 = vector.shape_cast %get3A_298 : vector<1x16xf32> to vector<16xf32>
        %add3A_300 = arith.addf %scan3A_284, %get3A_299 : vector<16xf32>
        %add3A_301 = arith.constant 1 : i32
        %add3A_302 = arith.addi %add3A_289, %add3A_301 : i32
        %get3A_303 = arith.constant 0 : i32
        %get3A_304 = arith.constant 0 : i32
        %get3A_305 = tpu.memref_slice %arg7[%scan3A_65, %get3A_303, %get3A_304] : memref<2x3200x16xf32, #tpu.memory_space<vmem>> -> memref<1x3200x16xf32, #tpu.memory_space<vmem>>
        %get3A_306 = tpu.memref_squeeze %get3A_305 : memref<1x3200x16xf32, #tpu.memory_space<vmem>> -> memref<3200x16xf32, #tpu.memory_space<vmem>>
        %get3A_307 = arith.index_cast %add3A_302 : i32 to index
        %get3A_308 = arith.constant 0 : index
        %get3A_309 = tpu.vector_load %get3A_306[%get3A_307, %get3A_308] {strides = array<i32>} : memref<3200x16xf32, #tpu.memory_space<vmem>>, vector<1x16xf32>,
        %get3A_310 = vector.shape_cast %get3A_309 : vector<1x16xf32> to vector<16xf32>
        %add3A_311 = arith.addf %add3A_300, %get3A_310 : vector<16xf32>
        %add3A_312 = arith.constant 2 : i32
        %add3A_313 = arith.addi %add3A_289, %add3A_312 : i32
        %get3A_314 = arith.constant 0 : i32
        %get3A_315 = arith.constant 0 : i32
        %get3A_316 = tpu.memref_slice %arg7[%scan3A_65, %get3A_314, %get3A_315] : memref<2x3200x16xf32, #tpu.memory_space<vmem>> -> memref<1x3200x16xf32, #tpu.memory_space<vmem>>
        %get3A_317 = tpu.memref_squeeze %get3A_316 : memref<1x3200x16xf32, #tpu.memory_space<vmem>> -> memref<3200x16xf32, #tpu.memory_space<vmem>>
        %get3A_318 = arith.index_cast %add3A_313 : i32 to index
        %get3A_319 = arith.constant 0 : index
        %get3A_320 = tpu.vector_load %get3A_317[%get3A_318, %get3A_319] {strides = array<i32>} : memref<3200x16xf32, #tpu.memory_space<vmem>>, vector<1x16xf32>,
        %get3A_321 = vector.shape_cast %get3A_320 : vector<1x16xf32> to vector<16xf32>
        %add3A_322 = arith.addf %add3A_311, %get3A_321 : vector<16xf32>
        %add3A_323 = arith.constant 3 : i32
        %add3A_324 = arith.addi %add3A_289, %add3A_323 : i32
        %get3A_325 = arith.constant 0 : i32
        %get3A_326 = arith.constant 0 : i32
        %get3A_327 = tpu.memref_slice %arg7[%scan3A_65, %get3A_325, %get3A_326] : memref<2x3200x16xf32, #tpu.memory_space<vmem>> -> memref<1x3200x16xf32, #tpu.memory_space<vmem>>
        %get3A_328 = tpu.memref_squeeze %get3A_327 : memref<1x3200x16xf32, #tpu.memory_space<vmem>> -> memref<3200x16xf32, #tpu.memory_space<vmem>>
        %get3A_329 = arith.index_cast %add3A_324 : i32 to index
        %get3A_330 = arith.constant 0 : index
        %get3A_331 = tpu.vector_load %get3A_328[%get3A_329, %get3A_330] {strides = array<i32>} : memref<3200x16xf32, #tpu.memory_space<vmem>>, vector<1x16xf32>,
        %get3A_332 = vector.shape_cast %get3A_331 : vector<1x16xf32> to vector<16xf32>
        %add3A_333 = arith.addf %add3A_322, %get3A_332 : vector<16xf32>
        %add3A_334 = arith.constant 4 : i32
        %add3A_335 = arith.addi %add3A_289, %add3A_334 : i32
        %get3A_336 = arith.constant 0 : i32
        %get3A_337 = arith.constant 0 : i32
        %get3A_338 = tpu.memref_slice %arg7[%scan3A_65, %get3A_336, %get3A_337] : memref<2x3200x16xf32, #tpu.memory_space<vmem>> -> memref<1x3200x16xf32, #tpu.memory_space<vmem>>
        %get3A_339 = tpu.memref_squeeze %get3A_338 : memref<1x3200x16xf32, #tpu.memory_space<vmem>> -> memref<3200x16xf32, #tpu.memory_space<vmem>>
        %get3A_340 = arith.index_cast %add3A_335 : i32 to index
        %get3A_341 = arith.constant 0 : index
        %get3A_342 = tpu.vector_load %get3A_339[%get3A_340, %get3A_341] {strides = array<i32>} : memref<3200x16xf32, #tpu.memory_space<vmem>>, vector<1x16xf32>,
        %get3A_343 = vector.shape_cast %get3A_342 : vector<1x16xf32> to vector<16xf32>
        %add3A_344 = arith.addf %add3A_333, %get3A_343 : vector<16xf32>
        %add3A_345 = arith.constant 5 : i32
        %add3A_346 = arith.addi %add3A_289, %add3A_345 : i32
        %get3A_347 = arith.constant 0 : i32
        %get3A_348 = arith.constant 0 : i32
        %get3A_349 = tpu.memref_slice %arg7[%scan3A_65, %get3A_347, %get3A_348] : memref<2x3200x16xf32, #tpu.memory_space<vmem>> -> memref<1x3200x16xf32, #tpu.memory_space<vmem>>
        %get3A_350 = tpu.memref_squeeze %get3A_349 : memref<1x3200x16xf32, #tpu.memory_space<vmem>> -> memref<3200x16xf32, #tpu.memory_space<vmem>>
        %get3A_351 = arith.index_cast %add3A_346 : i32 to index
        %get3A_352 = arith.constant 0 : index
        %get3A_353 = tpu.vector_load %get3A_350[%get3A_351, %get3A_352] {strides = array<i32>} : memref<3200x16xf32, #tpu.memory_space<vmem>>, vector<1x16xf32>,
        %get3A_354 = vector.shape_cast %get3A_353 : vector<1x16xf32> to vector<16xf32>
        %add3A_355 = arith.addf %add3A_344, %get3A_354 : vector<16xf32>
        %add3A_356 = arith.constant 6 : i32
        %add3A_357 = arith.addi %add3A_289, %add3A_356 : i32
        %get3A_358 = arith.constant 0 : i32
        %get3A_359 = arith.constant 0 : i32
        %get3A_360 = tpu.memref_slice %arg7[%scan3A_65, %get3A_358, %get3A_359] : memref<2x3200x16xf32, #tpu.memory_space<vmem>> -> memref<1x3200x16xf32, #tpu.memory_space<vmem>>
        %get3A_361 = tpu.memref_squeeze %get3A_360 : memref<1x3200x16xf32, #tpu.memory_space<vmem>> -> memref<3200x16xf32, #tpu.memory_space<vmem>>
        %get3A_362 = arith.index_cast %add3A_357 : i32 to index
        %get3A_363 = arith.constant 0 : index
        %get3A_364 = tpu.vector_load %get3A_361[%get3A_362, %get3A_363] {strides = array<i32>} : memref<3200x16xf32, #tpu.memory_space<vmem>>, vector<1x16xf32>,
        %get3A_365 = vector.shape_cast %get3A_364 : vector<1x16xf32> to vector<16xf32>
        %add3A_366 = arith.addf %add3A_355, %get3A_365 : vector<16xf32>
        %add3A_367 = arith.constant 7 : i32
        %add3A_368 = arith.addi %add3A_289, %add3A_367 : i32
        %get3A_369 = arith.constant 0 : i32
        %get3A_370 = arith.constant 0 : i32
        %get3A_371 = tpu.memref_slice %arg7[%scan3A_65, %get3A_369, %get3A_370] : memref<2x3200x16xf32, #tpu.memory_space<vmem>> -> memref<1x3200x16xf32, #tpu.memory_space<vmem>>
        %get3A_372 = tpu.memref_squeeze %get3A_371 : memref<1x3200x16xf32, #tpu.memory_space<vmem>> -> memref<3200x16xf32, #tpu.memory_space<vmem>>
        %get3A_373 = arith.index_cast %add3A_368 : i32 to index
        %get3A_374 = arith.constant 0 : index
        %get3A_375 = tpu.vector_load %get3A_372[%get3A_373, %get3A_374] {strides = array<i32>} : memref<3200x16xf32, #tpu.memory_space<vmem>>, vector<1x16xf32>,
        %get3A_376 = vector.shape_cast %get3A_375 : vector<1x16xf32> to vector<16xf32>
        %add3A_377 = arith.addf %add3A_366, %get3A_376 : vector<16xf32>
        scf.yield %add3A_377 : vector<16xf32>
      }
      %scan3A_274 = arith.constant 25 : i32
      %mul3A_275 = vector.broadcast %scan3A_66 : f32 to vector<16xf32>
      %mul3A_276 = arith.mulf %scan3A_273, %mul3A_275 : vector<16xf32>
      %add3A_277 = arith.addf %mul3A_276, %get3A_4 : vector<16xf32>
      %swap3A = arith.index_cast %scan3A_266 : i32 to index
      %swap3A_278 = arith.constant 0 : index
      %swap3A_279 = tpu.vector_load %arg8[%swap3A, %swap3A_278] {strides = array<i32>} : memref<16x16xf32, #tpu.memory_space<vmem>>, vector<1x16xf32>,
      %swap3A_280 = vector.shape_cast %swap3A_279 : vector<1x16xf32> to vector<16xf32>
      %swap3A_281 = vector.shape_cast %add3A_277 : vector<16xf32> to vector<1x16xf32>
      tpu.vector_store %arg8[%swap3A, %swap3A_278], %swap3A_281 {strides = array<i32>} : memref<16x16xf32, #tpu.memory_space<vmem>>, vector<1x16xf32>,
      %scan3A_282 = arith.constant 0 : i32
      scf.yield %scan3A_282 : i32
    }
    %scan3A_73 = arith.constant 16 : i32
    %mul3A_74 = arith.constant 128 : i32
    %mul3A_75 = arith.muli %add3A, %mul3A_74 : i32
    %add3A_76 = arith.constant 16 : i32
    %add3A_77 = arith.addi %mul3A_75, %add3A_76 : i32
    "tpu.region"() ({
      %run_scoped3A = tpu.sem_alloc : memref<!tpu.dma_semaphore, #tpu.memory_space<semaphore_mem>>
      %dma_start3A_266 = arith.constant 0 : i32
      %dma_start3A_267 = tpu.memref_slice %arg5[%add3A_77, %dma_start3A_266] : memref<4096x16xf32, #tpu.memory_space<hbm>> -> memref<16x16xf32, #tpu.memory_space<hbm>>
      %dma_start3A_268 = arith.constant 0 : i32
      %dma_start3A_269 = tpu.memref_slice %arg5[%add3A_77, %dma_start3A_268] : memref<4096x16xf32, #tpu.memory_space<hbm>> -> memref<16x16xf32, #tpu.memory_space<hbm>>
      tpu.enqueue_dma source(%arg8 : memref<16x16xf32, #tpu.memory_space<vmem>>) target(%dma_start3A_269 : memref<16x16xf32, #tpu.memory_space<hbm>>) target_semaphore(%run_scoped3A : memref<!tpu.dma_semaphore, #tpu.memory_space<semaphore_mem>>)
      %dma_wait3A_270 = arith.constant 0 : i32
      %dma_wait3A_271 = tpu.memref_slice %arg5[%add3A_77, %dma_wait3A_270] : memref<4096x16xf32, #tpu.memory_space<hbm>> -> memref<16x16xf32, #tpu.memory_space<hbm>>
      %dma_wait3A_272 = arith.constant 0 : i32
      %dma_wait3A_273 = tpu.memref_slice %arg5[%add3A_77, %dma_wait3A_272] : memref<4096x16xf32, #tpu.memory_space<hbm>> -> memref<16x16xf32, #tpu.memory_space<hbm>>
      tpu.wait_dma2 semaphore(%run_scoped3A : memref<!tpu.dma_semaphore, #tpu.memory_space<semaphore_mem>>) src(%arg8 : memref<16x16xf32, #tpu.memory_space<vmem>>) dst(%dma_wait3A_273 : memref<16x16xf32, #tpu.memory_space<hbm>>)
      tpu.yield
    }) : () -> ()
    %dma_start3A_78 = arith.constant 1 : i32
    %dma_start3A_79 = arith.constant 0 : i32
    %dma_start3A_80 = arith.constant 0 : i32
    %dma_start3A_81 = tpu.memref_slice %arg7[%dma_start3A_78, %dma_start3A_79, %dma_start3A_80] : memref<2x3200x16xf32, #tpu.memory_space<vmem>> -> memref<1x3200x16xf32, #tpu.memory_space<vmem>>
    %dma_start3A_82 = tpu.memref_squeeze %dma_start3A_81 : memref<1x3200x16xf32, #tpu.memory_space<vmem>> -> memref<3200x16xf32, #tpu.memory_space<vmem>>
    %dma_start3A_83 = arith.constant 9600 : i32
    %dma_start3A_84 = tpu.memref_slice %arg6[%dma_start3A_83] : memref<25600xi32, #tpu.memory_space<vmem>> -> memref<3200xi32, #tpu.memory_space<vmem>>
    %dma_start3A_85 = arith.constant 0 : i32
    %dma_start3A_86 = arith.constant 0 : i32
    %dma_start3A_87 = tpu.memref_slice %arg3[%dma_start3A_85, %dma_start3A_86] : memref<1000000x16xf32, #tpu.memory_space<hbm>> -> memref<1000000x16xf32, #tpu.memory_space<hbm>>
    tpu.enqueue_indirect_dma source(%dma_start3A_87 : memref<1000000x16xf32, #tpu.memory_space<hbm>>) target(%dma_start3A_82 : memref<3200x16xf32, #tpu.memory_space<vmem>>) offsets(%dma_start3A_84 : memref<3200xi32, #tpu.memory_space<vmem>>) semaphore(%arg11 : memref<!tpu.dma_semaphore, #tpu.memory_space<semaphore_mem>>)
    %dma_wait3A_88 = arith.constant 0 : i32
    %dma_wait3A_89 = arith.constant 0 : i32
    %dma_wait3A_90 = arith.constant 0 : i32
    %dma_wait3A_91 = tpu.memref_slice %arg7[%dma_wait3A_88, %dma_wait3A_89, %dma_wait3A_90] : memref<2x3200x16xf32, #tpu.memory_space<vmem>> -> memref<1x3200x16xf32, #tpu.memory_space<vmem>>
    %dma_wait3A_92 = tpu.memref_squeeze %dma_wait3A_91 : memref<1x3200x16xf32, #tpu.memory_space<vmem>> -> memref<3200x16xf32, #tpu.memory_space<vmem>>
    %dma_wait3A_93 = arith.constant 6400 : i32
    %dma_wait3A_94 = tpu.memref_slice %arg6[%dma_wait3A_93] : memref<25600xi32, #tpu.memory_space<vmem>> -> memref<3200xi32, #tpu.memory_space<vmem>>
    %dma_wait3A_95 = arith.constant 0 : i32
    %dma_wait3A_96 = arith.constant 0 : i32
    %dma_wait3A_97 = tpu.memref_slice %arg3[%dma_wait3A_95, %dma_wait3A_96] : memref<1000000x16xf32, #tpu.memory_space<hbm>> -> memref<1000000x16xf32, #tpu.memory_space<hbm>>
    tpu.wait_indirect_dma semaphore(%arg10 : memref<!tpu.dma_semaphore, #tpu.memory_space<semaphore_mem>>) src(%dma_wait3A_97 : memref<1000000x16xf32, #tpu.memory_space<hbm>>) dst(%dma_wait3A_92 : memref<3200x16xf32, #tpu.memory_space<vmem>>)
    %scan3A_98 = arith.constant 0 : i32
    %scan3A_99 = arith.constant 5.000000e-03 : f32
    %scan3A_100 = arith.constant 0 : i32
    %scan3A_101 = arith.constant 0 : i32
    %scan3A_102 = arith.constant 16 : i32
    %scan3A_103 = arith.addi %scan3A_101, %scan3A_102 : i32
    %scan3A_104 = arith.constant 1 : i32
    %scan3A_105 = scf.for %scan3A_266 = %scan3A_101 to %scan3A_103 step %scan3A_104 iter_args(%scan3A_267 = %scan3A_100) -> (i32)  : i32 {
      %broadcast_in_dim3A = arith.constant 0.000000e+00 : f32
      %broadcast_in_dim3A_268 = vector.broadcast %broadcast_in_dim3A : f32 to vector<16xf32>
      %scan3A_269 = arith.constant 0 : i32
      %scan3A_270 = arith.constant 25 : i32
      %scan3A_271 = arith.addi %scan3A_269, %scan3A_270 : i32
      %scan3A_272 = arith.constant 1 : i32
      %scan3A_273 = scf.for %scan3A_283 = %scan3A_269 to %scan3A_271 step %scan3A_272 iter_args(%scan3A_284 = %broadcast_in_dim3A_268) -> (vector<16xf32>)  : i32 {
        %mul3A_285 = arith.constant 200 : i32
        %mul3A_286 = arith.muli %scan3A_266, %mul3A_285 : i32
        %mul3A_287 = arith.constant 8 : i32
        %mul3A_288 = arith.muli %scan3A_283, %mul3A_287 : i32
        %add3A_289 = arith.addi %mul3A_286, %mul3A_288 : i32
        %add3A_290 = arith.constant 0 : i32
        %add3A_291 = arith.addi %add3A_289, %add3A_290 : i32
        %get3A_292 = arith.constant 0 : i32
        %get3A_293 = arith.constant 0 : i32
        %get3A_294 = tpu.memref_slice %arg7[%scan3A_98, %get3A_292, %get3A_293] : memref<2x3200x16xf32, #tpu.memory_space<vmem>> -> memref<1x3200x16xf32, #tpu.memory_space<vmem>>
        %get3A_295 = tpu.memref_squeeze %get3A_294 : memref<1x3200x16xf32, #tpu.memory_space<vmem>> -> memref<3200x16xf32, #tpu.memory_space<vmem>>
        %get3A_296 = arith.index_cast %add3A_291 : i32 to index
        %get3A_297 = arith.constant 0 : index
        %get3A_298 = tpu.vector_load %get3A_295[%get3A_296, %get3A_297] {strides = array<i32>} : memref<3200x16xf32, #tpu.memory_space<vmem>>, vector<1x16xf32>,
        %get3A_299 = vector.shape_cast %get3A_298 : vector<1x16xf32> to vector<16xf32>
        %add3A_300 = arith.addf %scan3A_284, %get3A_299 : vector<16xf32>
        %add3A_301 = arith.constant 1 : i32
        %add3A_302 = arith.addi %add3A_289, %add3A_301 : i32
        %get3A_303 = arith.constant 0 : i32
        %get3A_304 = arith.constant 0 : i32
        %get3A_305 = tpu.memref_slice %arg7[%scan3A_98, %get3A_303, %get3A_304] : memref<2x3200x16xf32, #tpu.memory_space<vmem>> -> memref<1x3200x16xf32, #tpu.memory_space<vmem>>
        %get3A_306 = tpu.memref_squeeze %get3A_305 : memref<1x3200x16xf32, #tpu.memory_space<vmem>> -> memref<3200x16xf32, #tpu.memory_space<vmem>>
        %get3A_307 = arith.index_cast %add3A_302 : i32 to index
        %get3A_308 = arith.constant 0 : index
        %get3A_309 = tpu.vector_load %get3A_306[%get3A_307, %get3A_308] {strides = array<i32>} : memref<3200x16xf32, #tpu.memory_space<vmem>>, vector<1x16xf32>,
        %get3A_310 = vector.shape_cast %get3A_309 : vector<1x16xf32> to vector<16xf32>
        %add3A_311 = arith.addf %add3A_300, %get3A_310 : vector<16xf32>
        %add3A_312 = arith.constant 2 : i32
        %add3A_313 = arith.addi %add3A_289, %add3A_312 : i32
        %get3A_314 = arith.constant 0 : i32
        %get3A_315 = arith.constant 0 : i32
        %get3A_316 = tpu.memref_slice %arg7[%scan3A_98, %get3A_314, %get3A_315] : memref<2x3200x16xf32, #tpu.memory_space<vmem>> -> memref<1x3200x16xf32, #tpu.memory_space<vmem>>
        %get3A_317 = tpu.memref_squeeze %get3A_316 : memref<1x3200x16xf32, #tpu.memory_space<vmem>> -> memref<3200x16xf32, #tpu.memory_space<vmem>>
        %get3A_318 = arith.index_cast %add3A_313 : i32 to index
        %get3A_319 = arith.constant 0 : index
        %get3A_320 = tpu.vector_load %get3A_317[%get3A_318, %get3A_319] {strides = array<i32>} : memref<3200x16xf32, #tpu.memory_space<vmem>>, vector<1x16xf32>,
        %get3A_321 = vector.shape_cast %get3A_320 : vector<1x16xf32> to vector<16xf32>
        %add3A_322 = arith.addf %add3A_311, %get3A_321 : vector<16xf32>
        %add3A_323 = arith.constant 3 : i32
        %add3A_324 = arith.addi %add3A_289, %add3A_323 : i32
        %get3A_325 = arith.constant 0 : i32
        %get3A_326 = arith.constant 0 : i32
        %get3A_327 = tpu.memref_slice %arg7[%scan3A_98, %get3A_325, %get3A_326] : memref<2x3200x16xf32, #tpu.memory_space<vmem>> -> memref<1x3200x16xf32, #tpu.memory_space<vmem>>
        %get3A_328 = tpu.memref_squeeze %get3A_327 : memref<1x3200x16xf32, #tpu.memory_space<vmem>> -> memref<3200x16xf32, #tpu.memory_space<vmem>>
        %get3A_329 = arith.index_cast %add3A_324 : i32 to index
        %get3A_330 = arith.constant 0 : index
        %get3A_331 = tpu.vector_load %get3A_328[%get3A_329, %get3A_330] {strides = array<i32>} : memref<3200x16xf32, #tpu.memory_space<vmem>>, vector<1x16xf32>,
        %get3A_332 = vector.shape_cast %get3A_331 : vector<1x16xf32> to vector<16xf32>
        %add3A_333 = arith.addf %add3A_322, %get3A_332 : vector<16xf32>
        %add3A_334 = arith.constant 4 : i32
        %add3A_335 = arith.addi %add3A_289, %add3A_334 : i32
        %get3A_336 = arith.constant 0 : i32
        %get3A_337 = arith.constant 0 : i32
        %get3A_338 = tpu.memref_slice %arg7[%scan3A_98, %get3A_336, %get3A_337] : memref<2x3200x16xf32, #tpu.memory_space<vmem>> -> memref<1x3200x16xf32, #tpu.memory_space<vmem>>
        %get3A_339 = tpu.memref_squeeze %get3A_338 : memref<1x3200x16xf32, #tpu.memory_space<vmem>> -> memref<3200x16xf32, #tpu.memory_space<vmem>>
        %get3A_340 = arith.index_cast %add3A_335 : i32 to index
        %get3A_341 = arith.constant 0 : index
        %get3A_342 = tpu.vector_load %get3A_339[%get3A_340, %get3A_341] {strides = array<i32>} : memref<3200x16xf32, #tpu.memory_space<vmem>>, vector<1x16xf32>,
        %get3A_343 = vector.shape_cast %get3A_342 : vector<1x16xf32> to vector<16xf32>
        %add3A_344 = arith.addf %add3A_333, %get3A_343 : vector<16xf32>
        %add3A_345 = arith.constant 5 : i32
        %add3A_346 = arith.addi %add3A_289, %add3A_345 : i32
        %get3A_347 = arith.constant 0 : i32
        %get3A_348 = arith.constant 0 : i32
        %get3A_349 = tpu.memref_slice %arg7[%scan3A_98, %get3A_347, %get3A_348] : memref<2x3200x16xf32, #tpu.memory_space<vmem>> -> memref<1x3200x16xf32, #tpu.memory_space<vmem>>
        %get3A_350 = tpu.memref_squeeze %get3A_349 : memref<1x3200x16xf32, #tpu.memory_space<vmem>> -> memref<3200x16xf32, #tpu.memory_space<vmem>>
        %get3A_351 = arith.index_cast %add3A_346 : i32 to index
        %get3A_352 = arith.constant 0 : index
        %get3A_353 = tpu.vector_load %get3A_350[%get3A_351, %get3A_352] {strides = array<i32>} : memref<3200x16xf32, #tpu.memory_space<vmem>>, vector<1x16xf32>,
        %get3A_354 = vector.shape_cast %get3A_353 : vector<1x16xf32> to vector<16xf32>
        %add3A_355 = arith.addf %add3A_344, %get3A_354 : vector<16xf32>
        %add3A_356 = arith.constant 6 : i32
        %add3A_357 = arith.addi %add3A_289, %add3A_356 : i32
        %get3A_358 = arith.constant 0 : i32
        %get3A_359 = arith.constant 0 : i32
        %get3A_360 = tpu.memref_slice %arg7[%scan3A_98, %get3A_358, %get3A_359] : memref<2x3200x16xf32, #tpu.memory_space<vmem>> -> memref<1x3200x16xf32, #tpu.memory_space<vmem>>
        %get3A_361 = tpu.memref_squeeze %get3A_360 : memref<1x3200x16xf32, #tpu.memory_space<vmem>> -> memref<3200x16xf32, #tpu.memory_space<vmem>>
        %get3A_362 = arith.index_cast %add3A_357 : i32 to index
        %get3A_363 = arith.constant 0 : index
        %get3A_364 = tpu.vector_load %get3A_361[%get3A_362, %get3A_363] {strides = array<i32>} : memref<3200x16xf32, #tpu.memory_space<vmem>>, vector<1x16xf32>,
        %get3A_365 = vector.shape_cast %get3A_364 : vector<1x16xf32> to vector<16xf32>
        %add3A_366 = arith.addf %add3A_355, %get3A_365 : vector<16xf32>
        %add3A_367 = arith.constant 7 : i32
        %add3A_368 = arith.addi %add3A_289, %add3A_367 : i32
        %get3A_369 = arith.constant 0 : i32
        %get3A_370 = arith.constant 0 : i32
        %get3A_371 = tpu.memref_slice %arg7[%scan3A_98, %get3A_369, %get3A_370] : memref<2x3200x16xf32, #tpu.memory_space<vmem>> -> memref<1x3200x16xf32, #tpu.memory_space<vmem>>
        %get3A_372 = tpu.memref_squeeze %get3A_371 : memref<1x3200x16xf32, #tpu.memory_space<vmem>> -> memref<3200x16xf32, #tpu.memory_space<vmem>>
        %get3A_373 = arith.index_cast %add3A_368 : i32 to index
        %get3A_374 = arith.constant 0 : index
        %get3A_375 = tpu.vector_load %get3A_372[%get3A_373, %get3A_374] {strides = array<i32>} : memref<3200x16xf32, #tpu.memory_space<vmem>>, vector<1x16xf32>,
        %get3A_376 = vector.shape_cast %get3A_375 : vector<1x16xf32> to vector<16xf32>
        %add3A_377 = arith.addf %add3A_366, %get3A_376 : vector<16xf32>
        scf.yield %add3A_377 : vector<16xf32>
      }
      %scan3A_274 = arith.constant 25 : i32
      %mul3A_275 = vector.broadcast %scan3A_99 : f32 to vector<16xf32>
      %mul3A_276 = arith.mulf %scan3A_273, %mul3A_275 : vector<16xf32>
      %add3A_277 = arith.addf %mul3A_276, %get3A_4 : vector<16xf32>
      %swap3A = arith.index_cast %scan3A_266 : i32 to index
      %swap3A_278 = arith.constant 0 : index
      %swap3A_279 = tpu.vector_load %arg8[%swap3A, %swap3A_278] {strides = array<i32>} : memref<16x16xf32, #tpu.memory_space<vmem>>, vector<1x16xf32>,
      %swap3A_280 = vector.shape_cast %swap3A_279 : vector<1x16xf32> to vector<16xf32>
      %swap3A_281 = vector.shape_cast %add3A_277 : vector<16xf32> to vector<1x16xf32>
      tpu.vector_store %arg8[%swap3A, %swap3A_278], %swap3A_281 {strides = array<i32>} : memref<16x16xf32, #tpu.memory_space<vmem>>, vector<1x16xf32>,
      %scan3A_282 = arith.constant 0 : i32
      scf.yield %scan3A_282 : i32
    }
    %scan3A_106 = arith.constant 16 : i32
    %mul3A_107 = arith.constant 128 : i32
    %mul3A_108 = arith.muli %add3A, %mul3A_107 : i32
    %add3A_109 = arith.constant 32 : i32
    %add3A_110 = arith.addi %mul3A_108, %add3A_109 : i32
    "tpu.region"() ({
      %run_scoped3A = tpu.sem_alloc : memref<!tpu.dma_semaphore, #tpu.memory_space<semaphore_mem>>
      %dma_start3A_266 = arith.constant 0 : i32
      %dma_start3A_267 = tpu.memref_slice %arg5[%add3A_110, %dma_start3A_266] : memref<4096x16xf32, #tpu.memory_space<hbm>> -> memref<16x16xf32, #tpu.memory_space<hbm>>
      %dma_start3A_268 = arith.constant 0 : i32
      %dma_start3A_269 = tpu.memref_slice %arg5[%add3A_110, %dma_start3A_268] : memref<4096x16xf32, #tpu.memory_space<hbm>> -> memref<16x16xf32, #tpu.memory_space<hbm>>
      tpu.enqueue_dma source(%arg8 : memref<16x16xf32, #tpu.memory_space<vmem>>) target(%dma_start3A_269 : memref<16x16xf32, #tpu.memory_space<hbm>>) target_semaphore(%run_scoped3A : memref<!tpu.dma_semaphore, #tpu.memory_space<semaphore_mem>>)
      %dma_wait3A_270 = arith.constant 0 : i32
      %dma_wait3A_271 = tpu.memref_slice %arg5[%add3A_110, %dma_wait3A_270] : memref<4096x16xf32, #tpu.memory_space<hbm>> -> memref<16x16xf32, #tpu.memory_space<hbm>>
      %dma_wait3A_272 = arith.constant 0 : i32
      %dma_wait3A_273 = tpu.memref_slice %arg5[%add3A_110, %dma_wait3A_272] : memref<4096x16xf32, #tpu.memory_space<hbm>> -> memref<16x16xf32, #tpu.memory_space<hbm>>
      tpu.wait_dma2 semaphore(%run_scoped3A : memref<!tpu.dma_semaphore, #tpu.memory_space<semaphore_mem>>) src(%arg8 : memref<16x16xf32, #tpu.memory_space<vmem>>) dst(%dma_wait3A_273 : memref<16x16xf32, #tpu.memory_space<hbm>>)
      tpu.yield
    }) : () -> ()
    %dma_start3A_111 = arith.constant 0 : i32
    %dma_start3A_112 = arith.constant 0 : i32
    %dma_start3A_113 = arith.constant 0 : i32
    %dma_start3A_114 = tpu.memref_slice %arg7[%dma_start3A_111, %dma_start3A_112, %dma_start3A_113] : memref<2x3200x16xf32, #tpu.memory_space<vmem>> -> memref<1x3200x16xf32, #tpu.memory_space<vmem>>
    %dma_start3A_115 = tpu.memref_squeeze %dma_start3A_114 : memref<1x3200x16xf32, #tpu.memory_space<vmem>> -> memref<3200x16xf32, #tpu.memory_space<vmem>>
    %dma_start3A_116 = arith.constant 12800 : i32
    %dma_start3A_117 = tpu.memref_slice %arg6[%dma_start3A_116] : memref<25600xi32, #tpu.memory_space<vmem>> -> memref<3200xi32, #tpu.memory_space<vmem>>
    %dma_start3A_118 = arith.constant 0 : i32
    %dma_start3A_119 = arith.constant 0 : i32
    %dma_start3A_120 = tpu.memref_slice %arg3[%dma_start3A_118, %dma_start3A_119] : memref<1000000x16xf32, #tpu.memory_space<hbm>> -> memref<1000000x16xf32, #tpu.memory_space<hbm>>
    tpu.enqueue_indirect_dma source(%dma_start3A_120 : memref<1000000x16xf32, #tpu.memory_space<hbm>>) target(%dma_start3A_115 : memref<3200x16xf32, #tpu.memory_space<vmem>>) offsets(%dma_start3A_117 : memref<3200xi32, #tpu.memory_space<vmem>>) semaphore(%arg10 : memref<!tpu.dma_semaphore, #tpu.memory_space<semaphore_mem>>)
    %dma_wait3A_121 = arith.constant 1 : i32
    %dma_wait3A_122 = arith.constant 0 : i32
    %dma_wait3A_123 = arith.constant 0 : i32
    %dma_wait3A_124 = tpu.memref_slice %arg7[%dma_wait3A_121, %dma_wait3A_122, %dma_wait3A_123] : memref<2x3200x16xf32, #tpu.memory_space<vmem>> -> memref<1x3200x16xf32, #tpu.memory_space<vmem>>
    %dma_wait3A_125 = tpu.memref_squeeze %dma_wait3A_124 : memref<1x3200x16xf32, #tpu.memory_space<vmem>> -> memref<3200x16xf32, #tpu.memory_space<vmem>>
    %dma_wait3A_126 = arith.constant 9600 : i32
    %dma_wait3A_127 = tpu.memref_slice %arg6[%dma_wait3A_126] : memref<25600xi32, #tpu.memory_space<vmem>> -> memref<3200xi32, #tpu.memory_space<vmem>>
    %dma_wait3A_128 = arith.constant 0 : i32
    %dma_wait3A_129 = arith.constant 0 : i32
    %dma_wait3A_130 = tpu.memref_slice %arg3[%dma_wait3A_128, %dma_wait3A_129] : memref<1000000x16xf32, #tpu.memory_space<hbm>> -> memref<1000000x16xf32, #tpu.memory_space<hbm>>
    tpu.wait_indirect_dma semaphore(%arg11 : memref<!tpu.dma_semaphore, #tpu.memory_space<semaphore_mem>>) src(%dma_wait3A_130 : memref<1000000x16xf32, #tpu.memory_space<hbm>>) dst(%dma_wait3A_125 : memref<3200x16xf32, #tpu.memory_space<vmem>>)
    %scan3A_131 = arith.constant 1 : i32
    %scan3A_132 = arith.constant 5.000000e-03 : f32
    %scan3A_133 = arith.constant 0 : i32
    %scan3A_134 = arith.constant 0 : i32
    %scan3A_135 = arith.constant 16 : i32
    %scan3A_136 = arith.addi %scan3A_134, %scan3A_135 : i32
    %scan3A_137 = arith.constant 1 : i32
    %scan3A_138 = scf.for %scan3A_266 = %scan3A_134 to %scan3A_136 step %scan3A_137 iter_args(%scan3A_267 = %scan3A_133) -> (i32)  : i32 {
      %broadcast_in_dim3A = arith.constant 0.000000e+00 : f32
      %broadcast_in_dim3A_268 = vector.broadcast %broadcast_in_dim3A : f32 to vector<16xf32>
      %scan3A_269 = arith.constant 0 : i32
      %scan3A_270 = arith.constant 25 : i32
      %scan3A_271 = arith.addi %scan3A_269, %scan3A_270 : i32
      %scan3A_272 = arith.constant 1 : i32
      %scan3A_273 = scf.for %scan3A_283 = %scan3A_269 to %scan3A_271 step %scan3A_272 iter_args(%scan3A_284 = %broadcast_in_dim3A_268) -> (vector<16xf32>)  : i32 {
        %mul3A_285 = arith.constant 200 : i32
        %mul3A_286 = arith.muli %scan3A_266, %mul3A_285 : i32
        %mul3A_287 = arith.constant 8 : i32
        %mul3A_288 = arith.muli %scan3A_283, %mul3A_287 : i32
        %add3A_289 = arith.addi %mul3A_286, %mul3A_288 : i32
        %add3A_290 = arith.constant 0 : i32
        %add3A_291 = arith.addi %add3A_289, %add3A_290 : i32
        %get3A_292 = arith.constant 0 : i32
        %get3A_293 = arith.constant 0 : i32
        %get3A_294 = tpu.memref_slice %arg7[%scan3A_131, %get3A_292, %get3A_293] : memref<2x3200x16xf32, #tpu.memory_space<vmem>> -> memref<1x3200x16xf32, #tpu.memory_space<vmem>>
        %get3A_295 = tpu.memref_squeeze %get3A_294 : memref<1x3200x16xf32, #tpu.memory_space<vmem>> -> memref<3200x16xf32, #tpu.memory_space<vmem>>
        %get3A_296 = arith.index_cast %add3A_291 : i32 to index
        %get3A_297 = arith.constant 0 : index
        %get3A_298 = tpu.vector_load %get3A_295[%get3A_296, %get3A_297] {strides = array<i32>} : memref<3200x16xf32, #tpu.memory_space<vmem>>, vector<1x16xf32>,
        %get3A_299 = vector.shape_cast %get3A_298 : vector<1x16xf32> to vector<16xf32>
        %add3A_300 = arith.addf %scan3A_284, %get3A_299 : vector<16xf32>
        %add3A_301 = arith.constant 1 : i32
        %add3A_302 = arith.addi %add3A_289, %add3A_301 : i32
        %get3A_303 = arith.constant 0 : i32
        %get3A_304 = arith.constant 0 : i32
        %get3A_305 = tpu.memref_slice %arg7[%scan3A_131, %get3A_303, %get3A_304] : memref<2x3200x16xf32, #tpu.memory_space<vmem>> -> memref<1x3200x16xf32, #tpu.memory_space<vmem>>
        %get3A_306 = tpu.memref_squeeze %get3A_305 : memref<1x3200x16xf32, #tpu.memory_space<vmem>> -> memref<3200x16xf32, #tpu.memory_space<vmem>>
        %get3A_307 = arith.index_cast %add3A_302 : i32 to index
        %get3A_308 = arith.constant 0 : index
        %get3A_309 = tpu.vector_load %get3A_306[%get3A_307, %get3A_308] {strides = array<i32>} : memref<3200x16xf32, #tpu.memory_space<vmem>>, vector<1x16xf32>,
        %get3A_310 = vector.shape_cast %get3A_309 : vector<1x16xf32> to vector<16xf32>
        %add3A_311 = arith.addf %add3A_300, %get3A_310 : vector<16xf32>
        %add3A_312 = arith.constant 2 : i32
        %add3A_313 = arith.addi %add3A_289, %add3A_312 : i32
        %get3A_314 = arith.constant 0 : i32
        %get3A_315 = arith.constant 0 : i32
        %get3A_316 = tpu.memref_slice %arg7[%scan3A_131, %get3A_314, %get3A_315] : memref<2x3200x16xf32, #tpu.memory_space<vmem>> -> memref<1x3200x16xf32, #tpu.memory_space<vmem>>
        %get3A_317 = tpu.memref_squeeze %get3A_316 : memref<1x3200x16xf32, #tpu.memory_space<vmem>> -> memref<3200x16xf32, #tpu.memory_space<vmem>>
        %get3A_318 = arith.index_cast %add3A_313 : i32 to index
        %get3A_319 = arith.constant 0 : index
        %get3A_320 = tpu.vector_load %get3A_317[%get3A_318, %get3A_319] {strides = array<i32>} : memref<3200x16xf32, #tpu.memory_space<vmem>>, vector<1x16xf32>,
        %get3A_321 = vector.shape_cast %get3A_320 : vector<1x16xf32> to vector<16xf32>
        %add3A_322 = arith.addf %add3A_311, %get3A_321 : vector<16xf32>
        %add3A_323 = arith.constant 3 : i32
        %add3A_324 = arith.addi %add3A_289, %add3A_323 : i32
        %get3A_325 = arith.constant 0 : i32
        %get3A_326 = arith.constant 0 : i32
        %get3A_327 = tpu.memref_slice %arg7[%scan3A_131, %get3A_325, %get3A_326] : memref<2x3200x16xf32, #tpu.memory_space<vmem>> -> memref<1x3200x16xf32, #tpu.memory_space<vmem>>
        %get3A_328 = tpu.memref_squeeze %get3A_327 : memref<1x3200x16xf32, #tpu.memory_space<vmem>> -> memref<3200x16xf32, #tpu.memory_space<vmem>>
        %get3A_329 = arith.index_cast %add3A_324 : i32 to index
        %get3A_330 = arith.constant 0 : index
        %get3A_331 = tpu.vector_load %get3A_328[%get3A_329, %get3A_330] {strides = array<i32>} : memref<3200x16xf32, #tpu.memory_space<vmem>>, vector<1x16xf32>,
        %get3A_332 = vector.shape_cast %get3A_331 : vector<1x16xf32> to vector<16xf32>
        %add3A_333 = arith.addf %add3A_322, %get3A_332 : vector<16xf32>
        %add3A_334 = arith.constant 4 : i32
        %add3A_335 = arith.addi %add3A_289, %add3A_334 : i32
        %get3A_336 = arith.constant 0 : i32
        %get3A_337 = arith.constant 0 : i32
        %get3A_338 = tpu.memref_slice %arg7[%scan3A_131, %get3A_336, %get3A_337] : memref<2x3200x16xf32, #tpu.memory_space<vmem>> -> memref<1x3200x16xf32, #tpu.memory_space<vmem>>
        %get3A_339 = tpu.memref_squeeze %get3A_338 : memref<1x3200x16xf32, #tpu.memory_space<vmem>> -> memref<3200x16xf32, #tpu.memory_space<vmem>>
        %get3A_340 = arith.index_cast %add3A_335 : i32 to index
        %get3A_341 = arith.constant 0 : index
        %get3A_342 = tpu.vector_load %get3A_339[%get3A_340, %get3A_341] {strides = array<i32>} : memref<3200x16xf32, #tpu.memory_space<vmem>>, vector<1x16xf32>,
        %get3A_343 = vector.shape_cast %get3A_342 : vector<1x16xf32> to vector<16xf32>
        %add3A_344 = arith.addf %add3A_333, %get3A_343 : vector<16xf32>
        %add3A_345 = arith.constant 5 : i32
        %add3A_346 = arith.addi %add3A_289, %add3A_345 : i32
        %get3A_347 = arith.constant 0 : i32
        %get3A_348 = arith.constant 0 : i32
        %get3A_349 = tpu.memref_slice %arg7[%scan3A_131, %get3A_347, %get3A_348] : memref<2x3200x16xf32, #tpu.memory_space<vmem>> -> memref<1x3200x16xf32, #tpu.memory_space<vmem>>
        %get3A_350 = tpu.memref_squeeze %get3A_349 : memref<1x3200x16xf32, #tpu.memory_space<vmem>> -> memref<3200x16xf32, #tpu.memory_space<vmem>>
        %get3A_351 = arith.index_cast %add3A_346 : i32 to index
        %get3A_352 = arith.constant 0 : index
        %get3A_353 = tpu.vector_load %get3A_350[%get3A_351, %get3A_352] {strides = array<i32>} : memref<3200x16xf32, #tpu.memory_space<vmem>>, vector<1x16xf32>,
        %get3A_354 = vector.shape_cast %get3A_353 : vector<1x16xf32> to vector<16xf32>
        %add3A_355 = arith.addf %add3A_344, %get3A_354 : vector<16xf32>
        %add3A_356 = arith.constant 6 : i32
        %add3A_357 = arith.addi %add3A_289, %add3A_356 : i32
        %get3A_358 = arith.constant 0 : i32
        %get3A_359 = arith.constant 0 : i32
        %get3A_360 = tpu.memref_slice %arg7[%scan3A_131, %get3A_358, %get3A_359] : memref<2x3200x16xf32, #tpu.memory_space<vmem>> -> memref<1x3200x16xf32, #tpu.memory_space<vmem>>
        %get3A_361 = tpu.memref_squeeze %get3A_360 : memref<1x3200x16xf32, #tpu.memory_space<vmem>> -> memref<3200x16xf32, #tpu.memory_space<vmem>>
        %get3A_362 = arith.index_cast %add3A_357 : i32 to index
        %get3A_363 = arith.constant 0 : index
        %get3A_364 = tpu.vector_load %get3A_361[%get3A_362, %get3A_363] {strides = array<i32>} : memref<3200x16xf32, #tpu.memory_space<vmem>>, vector<1x16xf32>,
        %get3A_365 = vector.shape_cast %get3A_364 : vector<1x16xf32> to vector<16xf32>
        %add3A_366 = arith.addf %add3A_355, %get3A_365 : vector<16xf32>
        %add3A_367 = arith.constant 7 : i32
        %add3A_368 = arith.addi %add3A_289, %add3A_367 : i32
        %get3A_369 = arith.constant 0 : i32
        %get3A_370 = arith.constant 0 : i32
        %get3A_371 = tpu.memref_slice %arg7[%scan3A_131, %get3A_369, %get3A_370] : memref<2x3200x16xf32, #tpu.memory_space<vmem>> -> memref<1x3200x16xf32, #tpu.memory_space<vmem>>
        %get3A_372 = tpu.memref_squeeze %get3A_371 : memref<1x3200x16xf32, #tpu.memory_space<vmem>> -> memref<3200x16xf32, #tpu.memory_space<vmem>>
        %get3A_373 = arith.index_cast %add3A_368 : i32 to index
        %get3A_374 = arith.constant 0 : index
        %get3A_375 = tpu.vector_load %get3A_372[%get3A_373, %get3A_374] {strides = array<i32>} : memref<3200x16xf32, #tpu.memory_space<vmem>>, vector<1x16xf32>,
        %get3A_376 = vector.shape_cast %get3A_375 : vector<1x16xf32> to vector<16xf32>
        %add3A_377 = arith.addf %add3A_366, %get3A_376 : vector<16xf32>
        scf.yield %add3A_377 : vector<16xf32>
      }
      %scan3A_274 = arith.constant 25 : i32
      %mul3A_275 = vector.broadcast %scan3A_132 : f32 to vector<16xf32>
      %mul3A_276 = arith.mulf %scan3A_273, %mul3A_275 : vector<16xf32>
      %add3A_277 = arith.addf %mul3A_276, %get3A_4 : vector<16xf32>
      %swap3A = arith.index_cast %scan3A_266 : i32 to index
      %swap3A_278 = arith.constant 0 : index
      %swap3A_279 = tpu.vector_load %arg8[%swap3A, %swap3A_278] {strides = array<i32>} : memref<16x16xf32, #tpu.memory_space<vmem>>, vector<1x16xf32>,
      %swap3A_280 = vector.shape_cast %swap3A_279 : vector<1x16xf32> to vector<16xf32>
      %swap3A_281 = vector.shape_cast %add3A_277 : vector<16xf32> to vector<1x16xf32>
      tpu.vector_store %arg8[%swap3A, %swap3A_278], %swap3A_281 {strides = array<i32>} : memref<16x16xf32, #tpu.memory_space<vmem>>, vector<1x16xf32>,
      %scan3A_282 = arith.constant 0 : i32
      scf.yield %scan3A_282 : i32
    }
    %scan3A_139 = arith.constant 16 : i32
    %mul3A_140 = arith.constant 128 : i32
    %mul3A_141 = arith.muli %add3A, %mul3A_140 : i32
    %add3A_142 = arith.constant 48 : i32
    %add3A_143 = arith.addi %mul3A_141, %add3A_142 : i32
    "tpu.region"() ({
      %run_scoped3A = tpu.sem_alloc : memref<!tpu.dma_semaphore, #tpu.memory_space<semaphore_mem>>
      %dma_start3A_266 = arith.constant 0 : i32
      %dma_start3A_267 = tpu.memref_slice %arg5[%add3A_143, %dma_start3A_266] : memref<4096x16xf32, #tpu.memory_space<hbm>> -> memref<16x16xf32, #tpu.memory_space<hbm>>
      %dma_start3A_268 = arith.constant 0 : i32
      %dma_start3A_269 = tpu.memref_slice %arg5[%add3A_143, %dma_start3A_268] : memref<4096x16xf32, #tpu.memory_space<hbm>> -> memref<16x16xf32, #tpu.memory_space<hbm>>
      tpu.enqueue_dma source(%arg8 : memref<16x16xf32, #tpu.memory_space<vmem>>) target(%dma_start3A_269 : memref<16x16xf32, #tpu.memory_space<hbm>>) target_semaphore(%run_scoped3A : memref<!tpu.dma_semaphore, #tpu.memory_space<semaphore_mem>>)
      %dma_wait3A_270 = arith.constant 0 : i32
      %dma_wait3A_271 = tpu.memref_slice %arg5[%add3A_143, %dma_wait3A_270] : memref<4096x16xf32, #tpu.memory_space<hbm>> -> memref<16x16xf32, #tpu.memory_space<hbm>>
      %dma_wait3A_272 = arith.constant 0 : i32
      %dma_wait3A_273 = tpu.memref_slice %arg5[%add3A_143, %dma_wait3A_272] : memref<4096x16xf32, #tpu.memory_space<hbm>> -> memref<16x16xf32, #tpu.memory_space<hbm>>
      tpu.wait_dma2 semaphore(%run_scoped3A : memref<!tpu.dma_semaphore, #tpu.memory_space<semaphore_mem>>) src(%arg8 : memref<16x16xf32, #tpu.memory_space<vmem>>) dst(%dma_wait3A_273 : memref<16x16xf32, #tpu.memory_space<hbm>>)
      tpu.yield
    }) : () -> ()
    %dma_start3A_144 = arith.constant 1 : i32
    %dma_start3A_145 = arith.constant 0 : i32
    %dma_start3A_146 = arith.constant 0 : i32
    %dma_start3A_147 = tpu.memref_slice %arg7[%dma_start3A_144, %dma_start3A_145, %dma_start3A_146] : memref<2x3200x16xf32, #tpu.memory_space<vmem>> -> memref<1x3200x16xf32, #tpu.memory_space<vmem>>
    %dma_start3A_148 = tpu.memref_squeeze %dma_start3A_147 : memref<1x3200x16xf32, #tpu.memory_space<vmem>> -> memref<3200x16xf32, #tpu.memory_space<vmem>>
    %dma_start3A_149 = arith.constant 16000 : i32
    %dma_start3A_150 = tpu.memref_slice %arg6[%dma_start3A_149] : memref<25600xi32, #tpu.memory_space<vmem>> -> memref<3200xi32, #tpu.memory_space<vmem>>
    %dma_start3A_151 = arith.constant 0 : i32
    %dma_start3A_152 = arith.constant 0 : i32
    %dma_start3A_153 = tpu.memref_slice %arg3[%dma_start3A_151, %dma_start3A_152] : memref<1000000x16xf32, #tpu.memory_space<hbm>> -> memref<1000000x16xf32, #tpu.memory_space<hbm>>
    tpu.enqueue_indirect_dma source(%dma_start3A_153 : memref<1000000x16xf32, #tpu.memory_space<hbm>>) target(%dma_start3A_148 : memref<3200x16xf32, #tpu.memory_space<vmem>>) offsets(%dma_start3A_150 : memref<3200xi32, #tpu.memory_space<vmem>>) semaphore(%arg11 : memref<!tpu.dma_semaphore, #tpu.memory_space<semaphore_mem>>)
    %dma_wait3A_154 = arith.constant 0 : i32
    %dma_wait3A_155 = arith.constant 0 : i32
    %dma_wait3A_156 = arith.constant 0 : i32
    %dma_wait3A_157 = tpu.memref_slice %arg7[%dma_wait3A_154, %dma_wait3A_155, %dma_wait3A_156] : memref<2x3200x16xf32, #tpu.memory_space<vmem>> -> memref<1x3200x16xf32, #tpu.memory_space<vmem>>
    %dma_wait3A_158 = tpu.memref_squeeze %dma_wait3A_157 : memref<1x3200x16xf32, #tpu.memory_space<vmem>> -> memref<3200x16xf32, #tpu.memory_space<vmem>>
    %dma_wait3A_159 = arith.constant 12800 : i32
    %dma_wait3A_160 = tpu.memref_slice %arg6[%dma_wait3A_159] : memref<25600xi32, #tpu.memory_space<vmem>> -> memref<3200xi32, #tpu.memory_space<vmem>>
    %dma_wait3A_161 = arith.constant 0 : i32
    %dma_wait3A_162 = arith.constant 0 : i32
    %dma_wait3A_163 = tpu.memref_slice %arg3[%dma_wait3A_161, %dma_wait3A_162] : memref<1000000x16xf32, #tpu.memory_space<hbm>> -> memref<1000000x16xf32, #tpu.memory_space<hbm>>
    tpu.wait_indirect_dma semaphore(%arg10 : memref<!tpu.dma_semaphore, #tpu.memory_space<semaphore_mem>>) src(%dma_wait3A_163 : memref<1000000x16xf32, #tpu.memory_space<hbm>>) dst(%dma_wait3A_158 : memref<3200x16xf32, #tpu.memory_space<vmem>>)
    %scan3A_164 = arith.constant 0 : i32
    %scan3A_165 = arith.constant 5.000000e-03 : f32
    %scan3A_166 = arith.constant 0 : i32
    %scan3A_167 = arith.constant 0 : i32
    %scan3A_168 = arith.constant 16 : i32
    %scan3A_169 = arith.addi %scan3A_167, %scan3A_168 : i32
    %scan3A_170 = arith.constant 1 : i32
    %scan3A_171 = scf.for %scan3A_266 = %scan3A_167 to %scan3A_169 step %scan3A_170 iter_args(%scan3A_267 = %scan3A_166) -> (i32)  : i32 {
      %broadcast_in_dim3A = arith.constant 0.000000e+00 : f32
      %broadcast_in_dim3A_268 = vector.broadcast %broadcast_in_dim3A : f32 to vector<16xf32>
      %scan3A_269 = arith.constant 0 : i32
      %scan3A_270 = arith.constant 25 : i32
      %scan3A_271 = arith.addi %scan3A_269, %scan3A_270 : i32
      %scan3A_272 = arith.constant 1 : i32
      %scan3A_273 = scf.for %scan3A_283 = %scan3A_269 to %scan3A_271 step %scan3A_272 iter_args(%scan3A_284 = %broadcast_in_dim3A_268) -> (vector<16xf32>)  : i32 {
        %mul3A_285 = arith.constant 200 : i32
        %mul3A_286 = arith.muli %scan3A_266, %mul3A_285 : i32
        %mul3A_287 = arith.constant 8 : i32
        %mul3A_288 = arith.muli %scan3A_283, %mul3A_287 : i32
        %add3A_289 = arith.addi %mul3A_286, %mul3A_288 : i32
        %add3A_290 = arith.constant 0 : i32
        %add3A_291 = arith.addi %add3A_289, %add3A_290 : i32
        %get3A_292 = arith.constant 0 : i32
        %get3A_293 = arith.constant 0 : i32
        %get3A_294 = tpu.memref_slice %arg7[%scan3A_164, %get3A_292, %get3A_293] : memref<2x3200x16xf32, #tpu.memory_space<vmem>> -> memref<1x3200x16xf32, #tpu.memory_space<vmem>>
        %get3A_295 = tpu.memref_squeeze %get3A_294 : memref<1x3200x16xf32, #tpu.memory_space<vmem>> -> memref<3200x16xf32, #tpu.memory_space<vmem>>
        %get3A_296 = arith.index_cast %add3A_291 : i32 to index
        %get3A_297 = arith.constant 0 : index
        %get3A_298 = tpu.vector_load %get3A_295[%get3A_296, %get3A_297] {strides = array<i32>} : memref<3200x16xf32, #tpu.memory_space<vmem>>, vector<1x16xf32>,
        %get3A_299 = vector.shape_cast %get3A_298 : vector<1x16xf32> to vector<16xf32>
        %add3A_300 = arith.addf %scan3A_284, %get3A_299 : vector<16xf32>
        %add3A_301 = arith.constant 1 : i32
        %add3A_302 = arith.addi %add3A_289, %add3A_301 : i32
        %get3A_303 = arith.constant 0 : i32
        %get3A_304 = arith.constant 0 : i32
        %get3A_305 = tpu.memref_slice %arg7[%scan3A_164, %get3A_303, %get3A_304] : memref<2x3200x16xf32, #tpu.memory_space<vmem>> -> memref<1x3200x16xf32, #tpu.memory_space<vmem>>
        %get3A_306 = tpu.memref_squeeze %get3A_305 : memref<1x3200x16xf32, #tpu.memory_space<vmem>> -> memref<3200x16xf32, #tpu.memory_space<vmem>>
        %get3A_307 = arith.index_cast %add3A_302 : i32 to index
        %get3A_308 = arith.constant 0 : index
        %get3A_309 = tpu.vector_load %get3A_306[%get3A_307, %get3A_308] {strides = array<i32>} : memref<3200x16xf32, #tpu.memory_space<vmem>>, vector<1x16xf32>,
        %get3A_310 = vector.shape_cast %get3A_309 : vector<1x16xf32> to vector<16xf32>
        %add3A_311 = arith.addf %add3A_300, %get3A_310 : vector<16xf32>
        %add3A_312 = arith.constant 2 : i32
        %add3A_313 = arith.addi %add3A_289, %add3A_312 : i32
        %get3A_314 = arith.constant 0 : i32
        %get3A_315 = arith.constant 0 : i32
        %get3A_316 = tpu.memref_slice %arg7[%scan3A_164, %get3A_314, %get3A_315] : memref<2x3200x16xf32, #tpu.memory_space<vmem>> -> memref<1x3200x16xf32, #tpu.memory_space<vmem>>
        %get3A_317 = tpu.memref_squeeze %get3A_316 : memref<1x3200x16xf32, #tpu.memory_space<vmem>> -> memref<3200x16xf32, #tpu.memory_space<vmem>>
        %get3A_318 = arith.index_cast %add3A_313 : i32 to index
        %get3A_319 = arith.constant 0 : index
        %get3A_320 = tpu.vector_load %get3A_317[%get3A_318, %get3A_319] {strides = array<i32>} : memref<3200x16xf32, #tpu.memory_space<vmem>>, vector<1x16xf32>,
        %get3A_321 = vector.shape_cast %get3A_320 : vector<1x16xf32> to vector<16xf32>
        %add3A_322 = arith.addf %add3A_311, %get3A_321 : vector<16xf32>
        %add3A_323 = arith.constant 3 : i32
        %add3A_324 = arith.addi %add3A_289, %add3A_323 : i32
        %get3A_325 = arith.constant 0 : i32
        %get3A_326 = arith.constant 0 : i32
        %get3A_327 = tpu.memref_slice %arg7[%scan3A_164, %get3A_325, %get3A_326] : memref<2x3200x16xf32, #tpu.memory_space<vmem>> -> memref<1x3200x16xf32, #tpu.memory_space<vmem>>
        %get3A_328 = tpu.memref_squeeze %get3A_327 : memref<1x3200x16xf32, #tpu.memory_space<vmem>> -> memref<3200x16xf32, #tpu.memory_space<vmem>>
        %get3A_329 = arith.index_cast %add3A_324 : i32 to index
        %get3A_330 = arith.constant 0 : index
        %get3A_331 = tpu.vector_load %get3A_328[%get3A_329, %get3A_330] {strides = array<i32>} : memref<3200x16xf32, #tpu.memory_space<vmem>>, vector<1x16xf32>,
        %get3A_332 = vector.shape_cast %get3A_331 : vector<1x16xf32> to vector<16xf32>
        %add3A_333 = arith.addf %add3A_322, %get3A_332 : vector<16xf32>
        %add3A_334 = arith.constant 4 : i32
        %add3A_335 = arith.addi %add3A_289, %add3A_334 : i32
        %get3A_336 = arith.constant 0 : i32
        %get3A_337 = arith.constant 0 : i32
        %get3A_338 = tpu.memref_slice %arg7[%scan3A_164, %get3A_336, %get3A_337] : memref<2x3200x16xf32, #tpu.memory_space<vmem>> -> memref<1x3200x16xf32, #tpu.memory_space<vmem>>
        %get3A_339 = tpu.memref_squeeze %get3A_338 : memref<1x3200x16xf32, #tpu.memory_space<vmem>> -> memref<3200x16xf32, #tpu.memory_space<vmem>>
        %get3A_340 = arith.index_cast %add3A_335 : i32 to index
        %get3A_341 = arith.constant 0 : index
        %get3A_342 = tpu.vector_load %get3A_339[%get3A_340, %get3A_341] {strides = array<i32>} : memref<3200x16xf32, #tpu.memory_space<vmem>>, vector<1x16xf32>,
        %get3A_343 = vector.shape_cast %get3A_342 : vector<1x16xf32> to vector<16xf32>
        %add3A_344 = arith.addf %add3A_333, %get3A_343 : vector<16xf32>
        %add3A_345 = arith.constant 5 : i32
        %add3A_346 = arith.addi %add3A_289, %add3A_345 : i32
        %get3A_347 = arith.constant 0 : i32
        %get3A_348 = arith.constant 0 : i32
        %get3A_349 = tpu.memref_slice %arg7[%scan3A_164, %get3A_347, %get3A_348] : memref<2x3200x16xf32, #tpu.memory_space<vmem>> -> memref<1x3200x16xf32, #tpu.memory_space<vmem>>
        %get3A_350 = tpu.memref_squeeze %get3A_349 : memref<1x3200x16xf32, #tpu.memory_space<vmem>> -> memref<3200x16xf32, #tpu.memory_space<vmem>>
        %get3A_351 = arith.index_cast %add3A_346 : i32 to index
        %get3A_352 = arith.constant 0 : index
        %get3A_353 = tpu.vector_load %get3A_350[%get3A_351, %get3A_352] {strides = array<i32>} : memref<3200x16xf32, #tpu.memory_space<vmem>>, vector<1x16xf32>,
        %get3A_354 = vector.shape_cast %get3A_353 : vector<1x16xf32> to vector<16xf32>
        %add3A_355 = arith.addf %add3A_344, %get3A_354 : vector<16xf32>
        %add3A_356 = arith.constant 6 : i32
        %add3A_357 = arith.addi %add3A_289, %add3A_356 : i32
        %get3A_358 = arith.constant 0 : i32
        %get3A_359 = arith.constant 0 : i32
        %get3A_360 = tpu.memref_slice %arg7[%scan3A_164, %get3A_358, %get3A_359] : memref<2x3200x16xf32, #tpu.memory_space<vmem>> -> memref<1x3200x16xf32, #tpu.memory_space<vmem>>
        %get3A_361 = tpu.memref_squeeze %get3A_360 : memref<1x3200x16xf32, #tpu.memory_space<vmem>> -> memref<3200x16xf32, #tpu.memory_space<vmem>>
        %get3A_362 = arith.index_cast %add3A_357 : i32 to index
        %get3A_363 = arith.constant 0 : index
        %get3A_364 = tpu.vector_load %get3A_361[%get3A_362, %get3A_363] {strides = array<i32>} : memref<3200x16xf32, #tpu.memory_space<vmem>>, vector<1x16xf32>,
        %get3A_365 = vector.shape_cast %get3A_364 : vector<1x16xf32> to vector<16xf32>
        %add3A_366 = arith.addf %add3A_355, %get3A_365 : vector<16xf32>
        %add3A_367 = arith.constant 7 : i32
        %add3A_368 = arith.addi %add3A_289, %add3A_367 : i32
        %get3A_369 = arith.constant 0 : i32
        %get3A_370 = arith.constant 0 : i32
        %get3A_371 = tpu.memref_slice %arg7[%scan3A_164, %get3A_369, %get3A_370] : memref<2x3200x16xf32, #tpu.memory_space<vmem>> -> memref<1x3200x16xf32, #tpu.memory_space<vmem>>
        %get3A_372 = tpu.memref_squeeze %get3A_371 : memref<1x3200x16xf32, #tpu.memory_space<vmem>> -> memref<3200x16xf32, #tpu.memory_space<vmem>>
        %get3A_373 = arith.index_cast %add3A_368 : i32 to index
        %get3A_374 = arith.constant 0 : index
        %get3A_375 = tpu.vector_load %get3A_372[%get3A_373, %get3A_374] {strides = array<i32>} : memref<3200x16xf32, #tpu.memory_space<vmem>>, vector<1x16xf32>,
        %get3A_376 = vector.shape_cast %get3A_375 : vector<1x16xf32> to vector<16xf32>
        %add3A_377 = arith.addf %add3A_366, %get3A_376 : vector<16xf32>
        scf.yield %add3A_377 : vector<16xf32>
      }
      %scan3A_274 = arith.constant 25 : i32
      %mul3A_275 = vector.broadcast %scan3A_165 : f32 to vector<16xf32>
      %mul3A_276 = arith.mulf %scan3A_273, %mul3A_275 : vector<16xf32>
      %add3A_277 = arith.addf %mul3A_276, %get3A_4 : vector<16xf32>
      %swap3A = arith.index_cast %scan3A_266 : i32 to index
      %swap3A_278 = arith.constant 0 : index
      %swap3A_279 = tpu.vector_load %arg8[%swap3A, %swap3A_278] {strides = array<i32>} : memref<16x16xf32, #tpu.memory_space<vmem>>, vector<1x16xf32>,
      %swap3A_280 = vector.shape_cast %swap3A_279 : vector<1x16xf32> to vector<16xf32>
      %swap3A_281 = vector.shape_cast %add3A_277 : vector<16xf32> to vector<1x16xf32>
      tpu.vector_store %arg8[%swap3A, %swap3A_278], %swap3A_281 {strides = array<i32>} : memref<16x16xf32, #tpu.memory_space<vmem>>, vector<1x16xf32>,
      %scan3A_282 = arith.constant 0 : i32
      scf.yield %scan3A_282 : i32
    }
    %scan3A_172 = arith.constant 16 : i32
    %mul3A_173 = arith.constant 128 : i32
    %mul3A_174 = arith.muli %add3A, %mul3A_173 : i32
    %add3A_175 = arith.constant 64 : i32
    %add3A_176 = arith.addi %mul3A_174, %add3A_175 : i32
    "tpu.region"() ({
      %run_scoped3A = tpu.sem_alloc : memref<!tpu.dma_semaphore, #tpu.memory_space<semaphore_mem>>
      %dma_start3A_266 = arith.constant 0 : i32
      %dma_start3A_267 = tpu.memref_slice %arg5[%add3A_176, %dma_start3A_266] : memref<4096x16xf32, #tpu.memory_space<hbm>> -> memref<16x16xf32, #tpu.memory_space<hbm>>
      %dma_start3A_268 = arith.constant 0 : i32
      %dma_start3A_269 = tpu.memref_slice %arg5[%add3A_176, %dma_start3A_268] : memref<4096x16xf32, #tpu.memory_space<hbm>> -> memref<16x16xf32, #tpu.memory_space<hbm>>
      tpu.enqueue_dma source(%arg8 : memref<16x16xf32, #tpu.memory_space<vmem>>) target(%dma_start3A_269 : memref<16x16xf32, #tpu.memory_space<hbm>>) target_semaphore(%run_scoped3A : memref<!tpu.dma_semaphore, #tpu.memory_space<semaphore_mem>>)
      %dma_wait3A_270 = arith.constant 0 : i32
      %dma_wait3A_271 = tpu.memref_slice %arg5[%add3A_176, %dma_wait3A_270] : memref<4096x16xf32, #tpu.memory_space<hbm>> -> memref<16x16xf32, #tpu.memory_space<hbm>>
      %dma_wait3A_272 = arith.constant 0 : i32
      %dma_wait3A_273 = tpu.memref_slice %arg5[%add3A_176, %dma_wait3A_272] : memref<4096x16xf32, #tpu.memory_space<hbm>> -> memref<16x16xf32, #tpu.memory_space<hbm>>
      tpu.wait_dma2 semaphore(%run_scoped3A : memref<!tpu.dma_semaphore, #tpu.memory_space<semaphore_mem>>) src(%arg8 : memref<16x16xf32, #tpu.memory_space<vmem>>) dst(%dma_wait3A_273 : memref<16x16xf32, #tpu.memory_space<hbm>>)
      tpu.yield
    }) : () -> ()
    %dma_start3A_177 = arith.constant 0 : i32
    %dma_start3A_178 = arith.constant 0 : i32
    %dma_start3A_179 = arith.constant 0 : i32
    %dma_start3A_180 = tpu.memref_slice %arg7[%dma_start3A_177, %dma_start3A_178, %dma_start3A_179] : memref<2x3200x16xf32, #tpu.memory_space<vmem>> -> memref<1x3200x16xf32, #tpu.memory_space<vmem>>
    %dma_start3A_181 = tpu.memref_squeeze %dma_start3A_180 : memref<1x3200x16xf32, #tpu.memory_space<vmem>> -> memref<3200x16xf32, #tpu.memory_space<vmem>>
    %dma_start3A_182 = arith.constant 19200 : i32
    %dma_start3A_183 = tpu.memref_slice %arg6[%dma_start3A_182] : memref<25600xi32, #tpu.memory_space<vmem>> -> memref<3200xi32, #tpu.memory_space<vmem>>
    %dma_start3A_184 = arith.constant 0 : i32
    %dma_start3A_185 = arith.constant 0 : i32
    %dma_start3A_186 = tpu.memref_slice %arg3[%dma_start3A_184, %dma_start3A_185] : memref<1000000x16xf32, #tpu.memory_space<hbm>> -> memref<1000000x16xf32, #tpu.memory_space<hbm>>
    tpu.enqueue_indirect_dma source(%dma_start3A_186 : memref<1000000x16xf32, #tpu.memory_space<hbm>>) target(%dma_start3A_181 : memref<3200x16xf32, #tpu.memory_space<vmem>>) offsets(%dma_start3A_183 : memref<3200xi32, #tpu.memory_space<vmem>>) semaphore(%arg10 : memref<!tpu.dma_semaphore, #tpu.memory_space<semaphore_mem>>)
    %dma_wait3A_187 = arith.constant 1 : i32
    %dma_wait3A_188 = arith.constant 0 : i32
    %dma_wait3A_189 = arith.constant 0 : i32
    %dma_wait3A_190 = tpu.memref_slice %arg7[%dma_wait3A_187, %dma_wait3A_188, %dma_wait3A_189] : memref<2x3200x16xf32, #tpu.memory_space<vmem>> -> memref<1x3200x16xf32, #tpu.memory_space<vmem>>
    %dma_wait3A_191 = tpu.memref_squeeze %dma_wait3A_190 : memref<1x3200x16xf32, #tpu.memory_space<vmem>> -> memref<3200x16xf32, #tpu.memory_space<vmem>>
    %dma_wait3A_192 = arith.constant 16000 : i32
    %dma_wait3A_193 = tpu.memref_slice %arg6[%dma_wait3A_192] : memref<25600xi32, #tpu.memory_space<vmem>> -> memref<3200xi32, #tpu.memory_space<vmem>>
    %dma_wait3A_194 = arith.constant 0 : i32
    %dma_wait3A_195 = arith.constant 0 : i32
    %dma_wait3A_196 = tpu.memref_slice %arg3[%dma_wait3A_194, %dma_wait3A_195] : memref<1000000x16xf32, #tpu.memory_space<hbm>> -> memref<1000000x16xf32, #tpu.memory_space<hbm>>
    tpu.wait_indirect_dma semaphore(%arg11 : memref<!tpu.dma_semaphore, #tpu.memory_space<semaphore_mem>>) src(%dma_wait3A_196 : memref<1000000x16xf32, #tpu.memory_space<hbm>>) dst(%dma_wait3A_191 : memref<3200x16xf32, #tpu.memory_space<vmem>>)
    %scan3A_197 = arith.constant 1 : i32
    %scan3A_198 = arith.constant 5.000000e-03 : f32
    %scan3A_199 = arith.constant 0 : i32
    %scan3A_200 = arith.constant 0 : i32
    %scan3A_201 = arith.constant 16 : i32
    %scan3A_202 = arith.addi %scan3A_200, %scan3A_201 : i32
    %scan3A_203 = arith.constant 1 : i32
    %scan3A_204 = scf.for %scan3A_266 = %scan3A_200 to %scan3A_202 step %scan3A_203 iter_args(%scan3A_267 = %scan3A_199) -> (i32)  : i32 {
      %broadcast_in_dim3A = arith.constant 0.000000e+00 : f32
      %broadcast_in_dim3A_268 = vector.broadcast %broadcast_in_dim3A : f32 to vector<16xf32>
      %scan3A_269 = arith.constant 0 : i32
      %scan3A_270 = arith.constant 25 : i32
      %scan3A_271 = arith.addi %scan3A_269, %scan3A_270 : i32
      %scan3A_272 = arith.constant 1 : i32
      %scan3A_273 = scf.for %scan3A_283 = %scan3A_269 to %scan3A_271 step %scan3A_272 iter_args(%scan3A_284 = %broadcast_in_dim3A_268) -> (vector<16xf32>)  : i32 {
        %mul3A_285 = arith.constant 200 : i32
        %mul3A_286 = arith.muli %scan3A_266, %mul3A_285 : i32
        %mul3A_287 = arith.constant 8 : i32
        %mul3A_288 = arith.muli %scan3A_283, %mul3A_287 : i32
        %add3A_289 = arith.addi %mul3A_286, %mul3A_288 : i32
        %add3A_290 = arith.constant 0 : i32
        %add3A_291 = arith.addi %add3A_289, %add3A_290 : i32
        %get3A_292 = arith.constant 0 : i32
        %get3A_293 = arith.constant 0 : i32
        %get3A_294 = tpu.memref_slice %arg7[%scan3A_197, %get3A_292, %get3A_293] : memref<2x3200x16xf32, #tpu.memory_space<vmem>> -> memref<1x3200x16xf32, #tpu.memory_space<vmem>>
        %get3A_295 = tpu.memref_squeeze %get3A_294 : memref<1x3200x16xf32, #tpu.memory_space<vmem>> -> memref<3200x16xf32, #tpu.memory_space<vmem>>
        %get3A_296 = arith.index_cast %add3A_291 : i32 to index
        %get3A_297 = arith.constant 0 : index
        %get3A_298 = tpu.vector_load %get3A_295[%get3A_296, %get3A_297] {strides = array<i32>} : memref<3200x16xf32, #tpu.memory_space<vmem>>, vector<1x16xf32>,
        %get3A_299 = vector.shape_cast %get3A_298 : vector<1x16xf32> to vector<16xf32>
        %add3A_300 = arith.addf %scan3A_284, %get3A_299 : vector<16xf32>
        %add3A_301 = arith.constant 1 : i32
        %add3A_302 = arith.addi %add3A_289, %add3A_301 : i32
        %get3A_303 = arith.constant 0 : i32
        %get3A_304 = arith.constant 0 : i32
        %get3A_305 = tpu.memref_slice %arg7[%scan3A_197, %get3A_303, %get3A_304] : memref<2x3200x16xf32, #tpu.memory_space<vmem>> -> memref<1x3200x16xf32, #tpu.memory_space<vmem>>
        %get3A_306 = tpu.memref_squeeze %get3A_305 : memref<1x3200x16xf32, #tpu.memory_space<vmem>> -> memref<3200x16xf32, #tpu.memory_space<vmem>>
        %get3A_307 = arith.index_cast %add3A_302 : i32 to index
        %get3A_308 = arith.constant 0 : index
        %get3A_309 = tpu.vector_load %get3A_306[%get3A_307, %get3A_308] {strides = array<i32>} : memref<3200x16xf32, #tpu.memory_space<vmem>>, vector<1x16xf32>,
        %get3A_310 = vector.shape_cast %get3A_309 : vector<1x16xf32> to vector<16xf32>
        %add3A_311 = arith.addf %add3A_300, %get3A_310 : vector<16xf32>
        %add3A_312 = arith.constant 2 : i32
        %add3A_313 = arith.addi %add3A_289, %add3A_312 : i32
        %get3A_314 = arith.constant 0 : i32
        %get3A_315 = arith.constant 0 : i32
        %get3A_316 = tpu.memref_slice %arg7[%scan3A_197, %get3A_314, %get3A_315] : memref<2x3200x16xf32, #tpu.memory_space<vmem>> -> memref<1x3200x16xf32, #tpu.memory_space<vmem>>
        %get3A_317 = tpu.memref_squeeze %get3A_316 : memref<1x3200x16xf32, #tpu.memory_space<vmem>> -> memref<3200x16xf32, #tpu.memory_space<vmem>>
        %get3A_318 = arith.index_cast %add3A_313 : i32 to index
        %get3A_319 = arith.constant 0 : index
        %get3A_320 = tpu.vector_load %get3A_317[%get3A_318, %get3A_319] {strides = array<i32>} : memref<3200x16xf32, #tpu.memory_space<vmem>>, vector<1x16xf32>,
        %get3A_321 = vector.shape_cast %get3A_320 : vector<1x16xf32> to vector<16xf32>
        %add3A_322 = arith.addf %add3A_311, %get3A_321 : vector<16xf32>
        %add3A_323 = arith.constant 3 : i32
        %add3A_324 = arith.addi %add3A_289, %add3A_323 : i32
        %get3A_325 = arith.constant 0 : i32
        %get3A_326 = arith.constant 0 : i32
        %get3A_327 = tpu.memref_slice %arg7[%scan3A_197, %get3A_325, %get3A_326] : memref<2x3200x16xf32, #tpu.memory_space<vmem>> -> memref<1x3200x16xf32, #tpu.memory_space<vmem>>
        %get3A_328 = tpu.memref_squeeze %get3A_327 : memref<1x3200x16xf32, #tpu.memory_space<vmem>> -> memref<3200x16xf32, #tpu.memory_space<vmem>>
        %get3A_329 = arith.index_cast %add3A_324 : i32 to index
        %get3A_330 = arith.constant 0 : index
        %get3A_331 = tpu.vector_load %get3A_328[%get3A_329, %get3A_330] {strides = array<i32>} : memref<3200x16xf32, #tpu.memory_space<vmem>>, vector<1x16xf32>,
        %get3A_332 = vector.shape_cast %get3A_331 : vector<1x16xf32> to vector<16xf32>
        %add3A_333 = arith.addf %add3A_322, %get3A_332 : vector<16xf32>
        %add3A_334 = arith.constant 4 : i32
        %add3A_335 = arith.addi %add3A_289, %add3A_334 : i32
        %get3A_336 = arith.constant 0 : i32
        %get3A_337 = arith.constant 0 : i32
        %get3A_338 = tpu.memref_slice %arg7[%scan3A_197, %get3A_336, %get3A_337] : memref<2x3200x16xf32, #tpu.memory_space<vmem>> -> memref<1x3200x16xf32, #tpu.memory_space<vmem>>
        %get3A_339 = tpu.memref_squeeze %get3A_338 : memref<1x3200x16xf32, #tpu.memory_space<vmem>> -> memref<3200x16xf32, #tpu.memory_space<vmem>>
        %get3A_340 = arith.index_cast %add3A_335 : i32 to index
        %get3A_341 = arith.constant 0 : index
        %get3A_342 = tpu.vector_load %get3A_339[%get3A_340, %get3A_341] {strides = array<i32>} : memref<3200x16xf32, #tpu.memory_space<vmem>>, vector<1x16xf32>,
        %get3A_343 = vector.shape_cast %get3A_342 : vector<1x16xf32> to vector<16xf32>
        %add3A_344 = arith.addf %add3A_333, %get3A_343 : vector<16xf32>
        %add3A_345 = arith.constant 5 : i32
        %add3A_346 = arith.addi %add3A_289, %add3A_345 : i32
        %get3A_347 = arith.constant 0 : i32
        %get3A_348 = arith.constant 0 : i32
        %get3A_349 = tpu.memref_slice %arg7[%scan3A_197, %get3A_347, %get3A_348] : memref<2x3200x16xf32, #tpu.memory_space<vmem>> -> memref<1x3200x16xf32, #tpu.memory_space<vmem>>
        %get3A_350 = tpu.memref_squeeze %get3A_349 : memref<1x3200x16xf32, #tpu.memory_space<vmem>> -> memref<3200x16xf32, #tpu.memory_space<vmem>>
        %get3A_351 = arith.index_cast %add3A_346 : i32 to index
        %get3A_352 = arith.constant 0 : index
        %get3A_353 = tpu.vector_load %get3A_350[%get3A_351, %get3A_352] {strides = array<i32>} : memref<3200x16xf32, #tpu.memory_space<vmem>>, vector<1x16xf32>,
        %get3A_354 = vector.shape_cast %get3A_353 : vector<1x16xf32> to vector<16xf32>
        %add3A_355 = arith.addf %add3A_344, %get3A_354 : vector<16xf32>
        %add3A_356 = arith.constant 6 : i32
        %add3A_357 = arith.addi %add3A_289, %add3A_356 : i32
        %get3A_358 = arith.constant 0 : i32
        %get3A_359 = arith.constant 0 : i32
        %get3A_360 = tpu.memref_slice %arg7[%scan3A_197, %get3A_358, %get3A_359] : memref<2x3200x16xf32, #tpu.memory_space<vmem>> -> memref<1x3200x16xf32, #tpu.memory_space<vmem>>
        %get3A_361 = tpu.memref_squeeze %get3A_360 : memref<1x3200x16xf32, #tpu.memory_space<vmem>> -> memref<3200x16xf32, #tpu.memory_space<vmem>>
        %get3A_362 = arith.index_cast %add3A_357 : i32 to index
        %get3A_363 = arith.constant 0 : index
        %get3A_364 = tpu.vector_load %get3A_361[%get3A_362, %get3A_363] {strides = array<i32>} : memref<3200x16xf32, #tpu.memory_space<vmem>>, vector<1x16xf32>,
        %get3A_365 = vector.shape_cast %get3A_364 : vector<1x16xf32> to vector<16xf32>
        %add3A_366 = arith.addf %add3A_355, %get3A_365 : vector<16xf32>
        %add3A_367 = arith.constant 7 : i32
        %add3A_368 = arith.addi %add3A_289, %add3A_367 : i32
        %get3A_369 = arith.constant 0 : i32
        %get3A_370 = arith.constant 0 : i32
        %get3A_371 = tpu.memref_slice %arg7[%scan3A_197, %get3A_369, %get3A_370] : memref<2x3200x16xf32, #tpu.memory_space<vmem>> -> memref<1x3200x16xf32, #tpu.memory_space<vmem>>
        %get3A_372 = tpu.memref_squeeze %get3A_371 : memref<1x3200x16xf32, #tpu.memory_space<vmem>> -> memref<3200x16xf32, #tpu.memory_space<vmem>>
        %get3A_373 = arith.index_cast %add3A_368 : i32 to index
        %get3A_374 = arith.constant 0 : index
        %get3A_375 = tpu.vector_load %get3A_372[%get3A_373, %get3A_374] {strides = array<i32>} : memref<3200x16xf32, #tpu.memory_space<vmem>>, vector<1x16xf32>,
        %get3A_376 = vector.shape_cast %get3A_375 : vector<1x16xf32> to vector<16xf32>
        %add3A_377 = arith.addf %add3A_366, %get3A_376 : vector<16xf32>
        scf.yield %add3A_377 : vector<16xf32>
      }
      %scan3A_274 = arith.constant 25 : i32
      %mul3A_275 = vector.broadcast %scan3A_198 : f32 to vector<16xf32>
      %mul3A_276 = arith.mulf %scan3A_273, %mul3A_275 : vector<16xf32>
      %add3A_277 = arith.addf %mul3A_276, %get3A_4 : vector<16xf32>
      %swap3A = arith.index_cast %scan3A_266 : i32 to index
      %swap3A_278 = arith.constant 0 : index
      %swap3A_279 = tpu.vector_load %arg8[%swap3A, %swap3A_278] {strides = array<i32>} : memref<16x16xf32, #tpu.memory_space<vmem>>, vector<1x16xf32>,
      %swap3A_280 = vector.shape_cast %swap3A_279 : vector<1x16xf32> to vector<16xf32>
      %swap3A_281 = vector.shape_cast %add3A_277 : vector<16xf32> to vector<1x16xf32>
      tpu.vector_store %arg8[%swap3A, %swap3A_278], %swap3A_281 {strides = array<i32>} : memref<16x16xf32, #tpu.memory_space<vmem>>, vector<1x16xf32>,
      %scan3A_282 = arith.constant 0 : i32
      scf.yield %scan3A_282 : i32
    }
    %scan3A_205 = arith.constant 16 : i32
    %mul3A_206 = arith.constant 128 : i32
    %mul3A_207 = arith.muli %add3A, %mul3A_206 : i32
    %add3A_208 = arith.constant 80 : i32
    %add3A_209 = arith.addi %mul3A_207, %add3A_208 : i32
    "tpu.region"() ({
      %run_scoped3A = tpu.sem_alloc : memref<!tpu.dma_semaphore, #tpu.memory_space<semaphore_mem>>
      %dma_start3A_266 = arith.constant 0 : i32
      %dma_start3A_267 = tpu.memref_slice %arg5[%add3A_209, %dma_start3A_266] : memref<4096x16xf32, #tpu.memory_space<hbm>> -> memref<16x16xf32, #tpu.memory_space<hbm>>
      %dma_start3A_268 = arith.constant 0 : i32
      %dma_start3A_269 = tpu.memref_slice %arg5[%add3A_209, %dma_start3A_268] : memref<4096x16xf32, #tpu.memory_space<hbm>> -> memref<16x16xf32, #tpu.memory_space<hbm>>
      tpu.enqueue_dma source(%arg8 : memref<16x16xf32, #tpu.memory_space<vmem>>) target(%dma_start3A_269 : memref<16x16xf32, #tpu.memory_space<hbm>>) target_semaphore(%run_scoped3A : memref<!tpu.dma_semaphore, #tpu.memory_space<semaphore_mem>>)
      %dma_wait3A_270 = arith.constant 0 : i32
      %dma_wait3A_271 = tpu.memref_slice %arg5[%add3A_209, %dma_wait3A_270] : memref<4096x16xf32, #tpu.memory_space<hbm>> -> memref<16x16xf32, #tpu.memory_space<hbm>>
      %dma_wait3A_272 = arith.constant 0 : i32
      %dma_wait3A_273 = tpu.memref_slice %arg5[%add3A_209, %dma_wait3A_272] : memref<4096x16xf32, #tpu.memory_space<hbm>> -> memref<16x16xf32, #tpu.memory_space<hbm>>
      tpu.wait_dma2 semaphore(%run_scoped3A : memref<!tpu.dma_semaphore, #tpu.memory_space<semaphore_mem>>) src(%arg8 : memref<16x16xf32, #tpu.memory_space<vmem>>) dst(%dma_wait3A_273 : memref<16x16xf32, #tpu.memory_space<hbm>>)
      tpu.yield
    }) : () -> ()
    %dma_start3A_210 = arith.constant 1 : i32
    %dma_start3A_211 = arith.constant 0 : i32
    %dma_start3A_212 = arith.constant 0 : i32
    %dma_start3A_213 = tpu.memref_slice %arg7[%dma_start3A_210, %dma_start3A_211, %dma_start3A_212] : memref<2x3200x16xf32, #tpu.memory_space<vmem>> -> memref<1x3200x16xf32, #tpu.memory_space<vmem>>
    %dma_start3A_214 = tpu.memref_squeeze %dma_start3A_213 : memref<1x3200x16xf32, #tpu.memory_space<vmem>> -> memref<3200x16xf32, #tpu.memory_space<vmem>>
    %dma_start3A_215 = arith.constant 22400 : i32
    %dma_start3A_216 = tpu.memref_slice %arg6[%dma_start3A_215] : memref<25600xi32, #tpu.memory_space<vmem>> -> memref<3200xi32, #tpu.memory_space<vmem>>
    %dma_start3A_217 = arith.constant 0 : i32
    %dma_start3A_218 = arith.constant 0 : i32
    %dma_start3A_219 = tpu.memref_slice %arg3[%dma_start3A_217, %dma_start3A_218] : memref<1000000x16xf32, #tpu.memory_space<hbm>> -> memref<1000000x16xf32, #tpu.memory_space<hbm>>
    tpu.enqueue_indirect_dma source(%dma_start3A_219 : memref<1000000x16xf32, #tpu.memory_space<hbm>>) target(%dma_start3A_214 : memref<3200x16xf32, #tpu.memory_space<vmem>>) offsets(%dma_start3A_216 : memref<3200xi32, #tpu.memory_space<vmem>>) semaphore(%arg11 : memref<!tpu.dma_semaphore, #tpu.memory_space<semaphore_mem>>)
    %dma_wait3A_220 = arith.constant 0 : i32
    %dma_wait3A_221 = arith.constant 0 : i32
    %dma_wait3A_222 = arith.constant 0 : i32
    %dma_wait3A_223 = tpu.memref_slice %arg7[%dma_wait3A_220, %dma_wait3A_221, %dma_wait3A_222] : memref<2x3200x16xf32, #tpu.memory_space<vmem>> -> memref<1x3200x16xf32, #tpu.memory_space<vmem>>
    %dma_wait3A_224 = tpu.memref_squeeze %dma_wait3A_223 : memref<1x3200x16xf32, #tpu.memory_space<vmem>> -> memref<3200x16xf32, #tpu.memory_space<vmem>>
    %dma_wait3A_225 = arith.constant 19200 : i32
    %dma_wait3A_226 = tpu.memref_slice %arg6[%dma_wait3A_225] : memref<25600xi32, #tpu.memory_space<vmem>> -> memref<3200xi32, #tpu.memory_space<vmem>>
    %dma_wait3A_227 = arith.constant 0 : i32
    %dma_wait3A_228 = arith.constant 0 : i32
    %dma_wait3A_229 = tpu.memref_slice %arg3[%dma_wait3A_227, %dma_wait3A_228] : memref<1000000x16xf32, #tpu.memory_space<hbm>> -> memref<1000000x16xf32, #tpu.memory_space<hbm>>
    tpu.wait_indirect_dma semaphore(%arg10 : memref<!tpu.dma_semaphore, #tpu.memory_space<semaphore_mem>>) src(%dma_wait3A_229 : memref<1000000x16xf32, #tpu.memory_space<hbm>>) dst(%dma_wait3A_224 : memref<3200x16xf32, #tpu.memory_space<vmem>>)
    %scan3A_230 = arith.constant 0 : i32
    %scan3A_231 = arith.constant 5.000000e-03 : f32
    %scan3A_232 = arith.constant 0 : i32
    %scan3A_233 = arith.constant 0 : i32
    %scan3A_234 = arith.constant 16 : i32
    %scan3A_235 = arith.addi %scan3A_233, %scan3A_234 : i32
    %scan3A_236 = arith.constant 1 : i32
    %scan3A_237 = scf.for %scan3A_266 = %scan3A_233 to %scan3A_235 step %scan3A_236 iter_args(%scan3A_267 = %scan3A_232) -> (i32)  : i32 {
      %broadcast_in_dim3A = arith.constant 0.000000e+00 : f32
      %broadcast_in_dim3A_268 = vector.broadcast %broadcast_in_dim3A : f32 to vector<16xf32>
      %scan3A_269 = arith.constant 0 : i32
      %scan3A_270 = arith.constant 25 : i32
      %scan3A_271 = arith.addi %scan3A_269, %scan3A_270 : i32
      %scan3A_272 = arith.constant 1 : i32
      %scan3A_273 = scf.for %scan3A_283 = %scan3A_269 to %scan3A_271 step %scan3A_272 iter_args(%scan3A_284 = %broadcast_in_dim3A_268) -> (vector<16xf32>)  : i32 {
        %mul3A_285 = arith.constant 200 : i32
        %mul3A_286 = arith.muli %scan3A_266, %mul3A_285 : i32
        %mul3A_287 = arith.constant 8 : i32
        %mul3A_288 = arith.muli %scan3A_283, %mul3A_287 : i32
        %add3A_289 = arith.addi %mul3A_286, %mul3A_288 : i32
        %add3A_290 = arith.constant 0 : i32
        %add3A_291 = arith.addi %add3A_289, %add3A_290 : i32
        %get3A_292 = arith.constant 0 : i32
        %get3A_293 = arith.constant 0 : i32
        %get3A_294 = tpu.memref_slice %arg7[%scan3A_230, %get3A_292, %get3A_293] : memref<2x3200x16xf32, #tpu.memory_space<vmem>> -> memref<1x3200x16xf32, #tpu.memory_space<vmem>>
        %get3A_295 = tpu.memref_squeeze %get3A_294 : memref<1x3200x16xf32, #tpu.memory_space<vmem>> -> memref<3200x16xf32, #tpu.memory_space<vmem>>
        %get3A_296 = arith.index_cast %add3A_291 : i32 to index
        %get3A_297 = arith.constant 0 : index
        %get3A_298 = tpu.vector_load %get3A_295[%get3A_296, %get3A_297] {strides = array<i32>} : memref<3200x16xf32, #tpu.memory_space<vmem>>, vector<1x16xf32>,
        %get3A_299 = vector.shape_cast %get3A_298 : vector<1x16xf32> to vector<16xf32>
        %add3A_300 = arith.addf %scan3A_284, %get3A_299 : vector<16xf32>
        %add3A_301 = arith.constant 1 : i32
        %add3A_302 = arith.addi %add3A_289, %add3A_301 : i32
        %get3A_303 = arith.constant 0 : i32
        %get3A_304 = arith.constant 0 : i32
        %get3A_305 = tpu.memref_slice %arg7[%scan3A_230, %get3A_303, %get3A_304] : memref<2x3200x16xf32, #tpu.memory_space<vmem>> -> memref<1x3200x16xf32, #tpu.memory_space<vmem>>
        %get3A_306 = tpu.memref_squeeze %get3A_305 : memref<1x3200x16xf32, #tpu.memory_space<vmem>> -> memref<3200x16xf32, #tpu.memory_space<vmem>>
        %get3A_307 = arith.index_cast %add3A_302 : i32 to index
        %get3A_308 = arith.constant 0 : index
        %get3A_309 = tpu.vector_load %get3A_306[%get3A_307, %get3A_308] {strides = array<i32>} : memref<3200x16xf32, #tpu.memory_space<vmem>>, vector<1x16xf32>,
        %get3A_310 = vector.shape_cast %get3A_309 : vector<1x16xf32> to vector<16xf32>
        %add3A_311 = arith.addf %add3A_300, %get3A_310 : vector<16xf32>
        %add3A_312 = arith.constant 2 : i32
        %add3A_313 = arith.addi %add3A_289, %add3A_312 : i32
        %get3A_314 = arith.constant 0 : i32
        %get3A_315 = arith.constant 0 : i32
        %get3A_316 = tpu.memref_slice %arg7[%scan3A_230, %get3A_314, %get3A_315] : memref<2x3200x16xf32, #tpu.memory_space<vmem>> -> memref<1x3200x16xf32, #tpu.memory_space<vmem>>
        %get3A_317 = tpu.memref_squeeze %get3A_316 : memref<1x3200x16xf32, #tpu.memory_space<vmem>> -> memref<3200x16xf32, #tpu.memory_space<vmem>>
        %get3A_318 = arith.index_cast %add3A_313 : i32 to index
        %get3A_319 = arith.constant 0 : index
        %get3A_320 = tpu.vector_load %get3A_317[%get3A_318, %get3A_319] {strides = array<i32>} : memref<3200x16xf32, #tpu.memory_space<vmem>>, vector<1x16xf32>,
        %get3A_321 = vector.shape_cast %get3A_320 : vector<1x16xf32> to vector<16xf32>
        %add3A_322 = arith.addf %add3A_311, %get3A_321 : vector<16xf32>
        %add3A_323 = arith.constant 3 : i32
        %add3A_324 = arith.addi %add3A_289, %add3A_323 : i32
        %get3A_325 = arith.constant 0 : i32
        %get3A_326 = arith.constant 0 : i32
        %get3A_327 = tpu.memref_slice %arg7[%scan3A_230, %get3A_325, %get3A_326] : memref<2x3200x16xf32, #tpu.memory_space<vmem>> -> memref<1x3200x16xf32, #tpu.memory_space<vmem>>
        %get3A_328 = tpu.memref_squeeze %get3A_327 : memref<1x3200x16xf32, #tpu.memory_space<vmem>> -> memref<3200x16xf32, #tpu.memory_space<vmem>>
        %get3A_329 = arith.index_cast %add3A_324 : i32 to index
        %get3A_330 = arith.constant 0 : index
        %get3A_331 = tpu.vector_load %get3A_328[%get3A_329, %get3A_330] {strides = array<i32>} : memref<3200x16xf32, #tpu.memory_space<vmem>>, vector<1x16xf32>,
        %get3A_332 = vector.shape_cast %get3A_331 : vector<1x16xf32> to vector<16xf32>
        %add3A_333 = arith.addf %add3A_322, %get3A_332 : vector<16xf32>
        %add3A_334 = arith.constant 4 : i32
        %add3A_335 = arith.addi %add3A_289, %add3A_334 : i32
        %get3A_336 = arith.constant 0 : i32
        %get3A_337 = arith.constant 0 : i32
        %get3A_338 = tpu.memref_slice %arg7[%scan3A_230, %get3A_336, %get3A_337] : memref<2x3200x16xf32, #tpu.memory_space<vmem>> -> memref<1x3200x16xf32, #tpu.memory_space<vmem>>
        %get3A_339 = tpu.memref_squeeze %get3A_338 : memref<1x3200x16xf32, #tpu.memory_space<vmem>> -> memref<3200x16xf32, #tpu.memory_space<vmem>>
        %get3A_340 = arith.index_cast %add3A_335 : i32 to index
        %get3A_341 = arith.constant 0 : index
        %get3A_342 = tpu.vector_load %get3A_339[%get3A_340, %get3A_341] {strides = array<i32>} : memref<3200x16xf32, #tpu.memory_space<vmem>>, vector<1x16xf32>,
        %get3A_343 = vector.shape_cast %get3A_342 : vector<1x16xf32> to vector<16xf32>
        %add3A_344 = arith.addf %add3A_333, %get3A_343 : vector<16xf32>
        %add3A_345 = arith.constant 5 : i32
        %add3A_346 = arith.addi %add3A_289, %add3A_345 : i32
        %get3A_347 = arith.constant 0 : i32
        %get3A_348 = arith.constant 0 : i32
        %get3A_349 = tpu.memref_slice %arg7[%scan3A_230, %get3A_347, %get3A_348] : memref<2x3200x16xf32, #tpu.memory_space<vmem>> -> memref<1x3200x16xf32, #tpu.memory_space<vmem>>
        %get3A_350 = tpu.memref_squeeze %get3A_349 : memref<1x3200x16xf32, #tpu.memory_space<vmem>> -> memref<3200x16xf32, #tpu.memory_space<vmem>>
        %get3A_351 = arith.index_cast %add3A_346 : i32 to index
        %get3A_352 = arith.constant 0 : index
        %get3A_353 = tpu.vector_load %get3A_350[%get3A_351, %get3A_352] {strides = array<i32>} : memref<3200x16xf32, #tpu.memory_space<vmem>>, vector<1x16xf32>,
        %get3A_354 = vector.shape_cast %get3A_353 : vector<1x16xf32> to vector<16xf32>
        %add3A_355 = arith.addf %add3A_344, %get3A_354 : vector<16xf32>
        %add3A_356 = arith.constant 6 : i32
        %add3A_357 = arith.addi %add3A_289, %add3A_356 : i32
        %get3A_358 = arith.constant 0 : i32
        %get3A_359 = arith.constant 0 : i32
        %get3A_360 = tpu.memref_slice %arg7[%scan3A_230, %get3A_358, %get3A_359] : memref<2x3200x16xf32, #tpu.memory_space<vmem>> -> memref<1x3200x16xf32, #tpu.memory_space<vmem>>
        %get3A_361 = tpu.memref_squeeze %get3A_360 : memref<1x3200x16xf32, #tpu.memory_space<vmem>> -> memref<3200x16xf32, #tpu.memory_space<vmem>>
        %get3A_362 = arith.index_cast %add3A_357 : i32 to index
        %get3A_363 = arith.constant 0 : index
        %get3A_364 = tpu.vector_load %get3A_361[%get3A_362, %get3A_363] {strides = array<i32>} : memref<3200x16xf32, #tpu.memory_space<vmem>>, vector<1x16xf32>,
        %get3A_365 = vector.shape_cast %get3A_364 : vector<1x16xf32> to vector<16xf32>
        %add3A_366 = arith.addf %add3A_355, %get3A_365 : vector<16xf32>
        %add3A_367 = arith.constant 7 : i32
        %add3A_368 = arith.addi %add3A_289, %add3A_367 : i32
        %get3A_369 = arith.constant 0 : i32
        %get3A_370 = arith.constant 0 : i32
        %get3A_371 = tpu.memref_slice %arg7[%scan3A_230, %get3A_369, %get3A_370] : memref<2x3200x16xf32, #tpu.memory_space<vmem>> -> memref<1x3200x16xf32, #tpu.memory_space<vmem>>
        %get3A_372 = tpu.memref_squeeze %get3A_371 : memref<1x3200x16xf32, #tpu.memory_space<vmem>> -> memref<3200x16xf32, #tpu.memory_space<vmem>>
        %get3A_373 = arith.index_cast %add3A_368 : i32 to index
        %get3A_374 = arith.constant 0 : index
        %get3A_375 = tpu.vector_load %get3A_372[%get3A_373, %get3A_374] {strides = array<i32>} : memref<3200x16xf32, #tpu.memory_space<vmem>>, vector<1x16xf32>,
        %get3A_376 = vector.shape_cast %get3A_375 : vector<1x16xf32> to vector<16xf32>
        %add3A_377 = arith.addf %add3A_366, %get3A_376 : vector<16xf32>
        scf.yield %add3A_377 : vector<16xf32>
      }
      %scan3A_274 = arith.constant 25 : i32
      %mul3A_275 = vector.broadcast %scan3A_231 : f32 to vector<16xf32>
      %mul3A_276 = arith.mulf %scan3A_273, %mul3A_275 : vector<16xf32>
      %add3A_277 = arith.addf %mul3A_276, %get3A_4 : vector<16xf32>
      %swap3A = arith.index_cast %scan3A_266 : i32 to index
      %swap3A_278 = arith.constant 0 : index
      %swap3A_279 = tpu.vector_load %arg8[%swap3A, %swap3A_278] {strides = array<i32>} : memref<16x16xf32, #tpu.memory_space<vmem>>, vector<1x16xf32>,
      %swap3A_280 = vector.shape_cast %swap3A_279 : vector<1x16xf32> to vector<16xf32>
      %swap3A_281 = vector.shape_cast %add3A_277 : vector<16xf32> to vector<1x16xf32>
      tpu.vector_store %arg8[%swap3A, %swap3A_278], %swap3A_281 {strides = array<i32>} : memref<16x16xf32, #tpu.memory_space<vmem>>, vector<1x16xf32>,
      %scan3A_282 = arith.constant 0 : i32
      scf.yield %scan3A_282 : i32
    }
    %scan3A_238 = arith.constant 16 : i32
    %mul3A_239 = arith.constant 128 : i32
    %mul3A_240 = arith.muli %add3A, %mul3A_239 : i32
    %add3A_241 = arith.constant 96 : i32
    %add3A_242 = arith.addi %mul3A_240, %add3A_241 : i32
    "tpu.region"() ({
      %run_scoped3A = tpu.sem_alloc : memref<!tpu.dma_semaphore, #tpu.memory_space<semaphore_mem>>
      %dma_start3A_266 = arith.constant 0 : i32
      %dma_start3A_267 = tpu.memref_slice %arg5[%add3A_242, %dma_start3A_266] : memref<4096x16xf32, #tpu.memory_space<hbm>> -> memref<16x16xf32, #tpu.memory_space<hbm>>
      %dma_start3A_268 = arith.constant 0 : i32
      %dma_start3A_269 = tpu.memref_slice %arg5[%add3A_242, %dma_start3A_268] : memref<4096x16xf32, #tpu.memory_space<hbm>> -> memref<16x16xf32, #tpu.memory_space<hbm>>
      tpu.enqueue_dma source(%arg8 : memref<16x16xf32, #tpu.memory_space<vmem>>) target(%dma_start3A_269 : memref<16x16xf32, #tpu.memory_space<hbm>>) target_semaphore(%run_scoped3A : memref<!tpu.dma_semaphore, #tpu.memory_space<semaphore_mem>>)
      %dma_wait3A_270 = arith.constant 0 : i32
      %dma_wait3A_271 = tpu.memref_slice %arg5[%add3A_242, %dma_wait3A_270] : memref<4096x16xf32, #tpu.memory_space<hbm>> -> memref<16x16xf32, #tpu.memory_space<hbm>>
      %dma_wait3A_272 = arith.constant 0 : i32
      %dma_wait3A_273 = tpu.memref_slice %arg5[%add3A_242, %dma_wait3A_272] : memref<4096x16xf32, #tpu.memory_space<hbm>> -> memref<16x16xf32, #tpu.memory_space<hbm>>
      tpu.wait_dma2 semaphore(%run_scoped3A : memref<!tpu.dma_semaphore, #tpu.memory_space<semaphore_mem>>) src(%arg8 : memref<16x16xf32, #tpu.memory_space<vmem>>) dst(%dma_wait3A_273 : memref<16x16xf32, #tpu.memory_space<hbm>>)
      tpu.yield
    }) : () -> ()
    %dma_wait3A_243 = arith.constant 1 : i32
    %dma_wait3A_244 = arith.constant 0 : i32
    %dma_wait3A_245 = arith.constant 0 : i32
    %dma_wait3A_246 = tpu.memref_slice %arg7[%dma_wait3A_243, %dma_wait3A_244, %dma_wait3A_245] : memref<2x3200x16xf32, #tpu.memory_space<vmem>> -> memref<1x3200x16xf32, #tpu.memory_space<vmem>>
    %dma_wait3A_247 = tpu.memref_squeeze %dma_wait3A_246 : memref<1x3200x16xf32, #tpu.memory_space<vmem>> -> memref<3200x16xf32, #tpu.memory_space<vmem>>
    %dma_wait3A_248 = arith.constant 22400 : i32
    %dma_wait3A_249 = tpu.memref_slice %arg6[%dma_wait3A_248] : memref<25600xi32, #tpu.memory_space<vmem>> -> memref<3200xi32, #tpu.memory_space<vmem>>
    %dma_wait3A_250 = arith.constant 0 : i32
    %dma_wait3A_251 = arith.constant 0 : i32
    %dma_wait3A_252 = tpu.memref_slice %arg3[%dma_wait3A_250, %dma_wait3A_251] : memref<1000000x16xf32, #tpu.memory_space<hbm>> -> memref<1000000x16xf32, #tpu.memory_space<hbm>>
    tpu.wait_indirect_dma semaphore(%arg11 : memref<!tpu.dma_semaphore, #tpu.memory_space<semaphore_mem>>) src(%dma_wait3A_252 : memref<1000000x16xf32, #tpu.memory_space<hbm>>) dst(%dma_wait3A_247 : memref<3200x16xf32, #tpu.memory_space<vmem>>)
    %scan3A_253 = arith.constant 1 : i32
    %scan3A_254 = arith.constant 5.000000e-03 : f32
    %scan3A_255 = arith.constant 0 : i32
    %scan3A_256 = arith.constant 0 : i32
    %scan3A_257 = arith.constant 16 : i32
    %scan3A_258 = arith.addi %scan3A_256, %scan3A_257 : i32
    %scan3A_259 = arith.constant 1 : i32
    %scan3A_260 = scf.for %scan3A_266 = %scan3A_256 to %scan3A_258 step %scan3A_259 iter_args(%scan3A_267 = %scan3A_255) -> (i32)  : i32 {
      %broadcast_in_dim3A = arith.constant 0.000000e+00 : f32
      %broadcast_in_dim3A_268 = vector.broadcast %broadcast_in_dim3A : f32 to vector<16xf32>
      %scan3A_269 = arith.constant 0 : i32
      %scan3A_270 = arith.constant 25 : i32
      %scan3A_271 = arith.addi %scan3A_269, %scan3A_270 : i32
      %scan3A_272 = arith.constant 1 : i32
      %scan3A_273 = scf.for %scan3A_283 = %scan3A_269 to %scan3A_271 step %scan3A_272 iter_args(%scan3A_284 = %broadcast_in_dim3A_268) -> (vector<16xf32>)  : i32 {
        %mul3A_285 = arith.constant 200 : i32
        %mul3A_286 = arith.muli %scan3A_266, %mul3A_285 : i32
        %mul3A_287 = arith.constant 8 : i32
        %mul3A_288 = arith.muli %scan3A_283, %mul3A_287 : i32
        %add3A_289 = arith.addi %mul3A_286, %mul3A_288 : i32
        %add3A_290 = arith.constant 0 : i32
        %add3A_291 = arith.addi %add3A_289, %add3A_290 : i32
        %get3A_292 = arith.constant 0 : i32
        %get3A_293 = arith.constant 0 : i32
        %get3A_294 = tpu.memref_slice %arg7[%scan3A_253, %get3A_292, %get3A_293] : memref<2x3200x16xf32, #tpu.memory_space<vmem>> -> memref<1x3200x16xf32, #tpu.memory_space<vmem>>
        %get3A_295 = tpu.memref_squeeze %get3A_294 : memref<1x3200x16xf32, #tpu.memory_space<vmem>> -> memref<3200x16xf32, #tpu.memory_space<vmem>>
        %get3A_296 = arith.index_cast %add3A_291 : i32 to index
        %get3A_297 = arith.constant 0 : index
        %get3A_298 = tpu.vector_load %get3A_295[%get3A_296, %get3A_297] {strides = array<i32>} : memref<3200x16xf32, #tpu.memory_space<vmem>>, vector<1x16xf32>,
        %get3A_299 = vector.shape_cast %get3A_298 : vector<1x16xf32> to vector<16xf32>
        %add3A_300 = arith.addf %scan3A_284, %get3A_299 : vector<16xf32>
        %add3A_301 = arith.constant 1 : i32
        %add3A_302 = arith.addi %add3A_289, %add3A_301 : i32
        %get3A_303 = arith.constant 0 : i32
        %get3A_304 = arith.constant 0 : i32
        %get3A_305 = tpu.memref_slice %arg7[%scan3A_253, %get3A_303, %get3A_304] : memref<2x3200x16xf32, #tpu.memory_space<vmem>> -> memref<1x3200x16xf32, #tpu.memory_space<vmem>>
        %get3A_306 = tpu.memref_squeeze %get3A_305 : memref<1x3200x16xf32, #tpu.memory_space<vmem>> -> memref<3200x16xf32, #tpu.memory_space<vmem>>
        %get3A_307 = arith.index_cast %add3A_302 : i32 to index
        %get3A_308 = arith.constant 0 : index
        %get3A_309 = tpu.vector_load %get3A_306[%get3A_307, %get3A_308] {strides = array<i32>} : memref<3200x16xf32, #tpu.memory_space<vmem>>, vector<1x16xf32>,
        %get3A_310 = vector.shape_cast %get3A_309 : vector<1x16xf32> to vector<16xf32>
        %add3A_311 = arith.addf %add3A_300, %get3A_310 : vector<16xf32>
        %add3A_312 = arith.constant 2 : i32
        %add3A_313 = arith.addi %add3A_289, %add3A_312 : i32
        %get3A_314 = arith.constant 0 : i32
        %get3A_315 = arith.constant 0 : i32
        %get3A_316 = tpu.memref_slice %arg7[%scan3A_253, %get3A_314, %get3A_315] : memref<2x3200x16xf32, #tpu.memory_space<vmem>> -> memref<1x3200x16xf32, #tpu.memory_space<vmem>>
        %get3A_317 = tpu.memref_squeeze %get3A_316 : memref<1x3200x16xf32, #tpu.memory_space<vmem>> -> memref<3200x16xf32, #tpu.memory_space<vmem>>
        %get3A_318 = arith.index_cast %add3A_313 : i32 to index
        %get3A_319 = arith.constant 0 : index
        %get3A_320 = tpu.vector_load %get3A_317[%get3A_318, %get3A_319] {strides = array<i32>} : memref<3200x16xf32, #tpu.memory_space<vmem>>, vector<1x16xf32>,
        %get3A_321 = vector.shape_cast %get3A_320 : vector<1x16xf32> to vector<16xf32>
        %add3A_322 = arith.addf %add3A_311, %get3A_321 : vector<16xf32>
        %add3A_323 = arith.constant 3 : i32
        %add3A_324 = arith.addi %add3A_289, %add3A_323 : i32
        %get3A_325 = arith.constant 0 : i32
        %get3A_326 = arith.constant 0 : i32
        %get3A_327 = tpu.memref_slice %arg7[%scan3A_253, %get3A_325, %get3A_326] : memref<2x3200x16xf32, #tpu.memory_space<vmem>> -> memref<1x3200x16xf32, #tpu.memory_space<vmem>>
        %get3A_328 = tpu.memref_squeeze %get3A_327 : memref<1x3200x16xf32, #tpu.memory_space<vmem>> -> memref<3200x16xf32, #tpu.memory_space<vmem>>
        %get3A_329 = arith.index_cast %add3A_324 : i32 to index
        %get3A_330 = arith.constant 0 : index
        %get3A_331 = tpu.vector_load %get3A_328[%get3A_329, %get3A_330] {strides = array<i32>} : memref<3200x16xf32, #tpu.memory_space<vmem>>, vector<1x16xf32>,
        %get3A_332 = vector.shape_cast %get3A_331 : vector<1x16xf32> to vector<16xf32>
        %add3A_333 = arith.addf %add3A_322, %get3A_332 : vector<16xf32>
        %add3A_334 = arith.constant 4 : i32
        %add3A_335 = arith.addi %add3A_289, %add3A_334 : i32
        %get3A_336 = arith.constant 0 : i32
        %get3A_337 = arith.constant 0 : i32
        %get3A_338 = tpu.memref_slice %arg7[%scan3A_253, %get3A_336, %get3A_337] : memref<2x3200x16xf32, #tpu.memory_space<vmem>> -> memref<1x3200x16xf32, #tpu.memory_space<vmem>>
        %get3A_339 = tpu.memref_squeeze %get3A_338 : memref<1x3200x16xf32, #tpu.memory_space<vmem>> -> memref<3200x16xf32, #tpu.memory_space<vmem>>
        %get3A_340 = arith.index_cast %add3A_335 : i32 to index
        %get3A_341 = arith.constant 0 : index
        %get3A_342 = tpu.vector_load %get3A_339[%get3A_340, %get3A_341] {strides = array<i32>} : memref<3200x16xf32, #tpu.memory_space<vmem>>, vector<1x16xf32>,
        %get3A_343 = vector.shape_cast %get3A_342 : vector<1x16xf32> to vector<16xf32>
        %add3A_344 = arith.addf %add3A_333, %get3A_343 : vector<16xf32>
        %add3A_345 = arith.constant 5 : i32
        %add3A_346 = arith.addi %add3A_289, %add3A_345 : i32
        %get3A_347 = arith.constant 0 : i32
        %get3A_348 = arith.constant 0 : i32
        %get3A_349 = tpu.memref_slice %arg7[%scan3A_253, %get3A_347, %get3A_348] : memref<2x3200x16xf32, #tpu.memory_space<vmem>> -> memref<1x3200x16xf32, #tpu.memory_space<vmem>>
        %get3A_350 = tpu.memref_squeeze %get3A_349 : memref<1x3200x16xf32, #tpu.memory_space<vmem>> -> memref<3200x16xf32, #tpu.memory_space<vmem>>
        %get3A_351 = arith.index_cast %add3A_346 : i32 to index
        %get3A_352 = arith.constant 0 : index
        %get3A_353 = tpu.vector_load %get3A_350[%get3A_351, %get3A_352] {strides = array<i32>} : memref<3200x16xf32, #tpu.memory_space<vmem>>, vector<1x16xf32>,
        %get3A_354 = vector.shape_cast %get3A_353 : vector<1x16xf32> to vector<16xf32>
        %add3A_355 = arith.addf %add3A_344, %get3A_354 : vector<16xf32>
        %add3A_356 = arith.constant 6 : i32
        %add3A_357 = arith.addi %add3A_289, %add3A_356 : i32
        %get3A_358 = arith.constant 0 : i32
        %get3A_359 = arith.constant 0 : i32
        %get3A_360 = tpu.memref_slice %arg7[%scan3A_253, %get3A_358, %get3A_359] : memref<2x3200x16xf32, #tpu.memory_space<vmem>> -> memref<1x3200x16xf32, #tpu.memory_space<vmem>>
        %get3A_361 = tpu.memref_squeeze %get3A_360 : memref<1x3200x16xf32, #tpu.memory_space<vmem>> -> memref<3200x16xf32, #tpu.memory_space<vmem>>
        %get3A_362 = arith.index_cast %add3A_357 : i32 to index
        %get3A_363 = arith.constant 0 : index
        %get3A_364 = tpu.vector_load %get3A_361[%get3A_362, %get3A_363] {strides = array<i32>} : memref<3200x16xf32, #tpu.memory_space<vmem>>, vector<1x16xf32>,
        %get3A_365 = vector.shape_cast %get3A_364 : vector<1x16xf32> to vector<16xf32>
        %add3A_366 = arith.addf %add3A_355, %get3A_365 : vector<16xf32>
        %add3A_367 = arith.constant 7 : i32
        %add3A_368 = arith.addi %add3A_289, %add3A_367 : i32
        %get3A_369 = arith.constant 0 : i32
        %get3A_370 = arith.constant 0 : i32
        %get3A_371 = tpu.memref_slice %arg7[%scan3A_253, %get3A_369, %get3A_370] : memref<2x3200x16xf32, #tpu.memory_space<vmem>> -> memref<1x3200x16xf32, #tpu.memory_space<vmem>>
        %get3A_372 = tpu.memref_squeeze %get3A_371 : memref<1x3200x16xf32, #tpu.memory_space<vmem>> -> memref<3200x16xf32, #tpu.memory_space<vmem>>
        %get3A_373 = arith.index_cast %add3A_368 : i32 to index
        %get3A_374 = arith.constant 0 : index
        %get3A_375 = tpu.vector_load %get3A_372[%get3A_373, %get3A_374] {strides = array<i32>} : memref<3200x16xf32, #tpu.memory_space<vmem>>, vector<1x16xf32>,
        %get3A_376 = vector.shape_cast %get3A_375 : vector<1x16xf32> to vector<16xf32>
        %add3A_377 = arith.addf %add3A_366, %get3A_376 : vector<16xf32>
        scf.yield %add3A_377 : vector<16xf32>
      }
      %scan3A_274 = arith.constant 25 : i32
      %mul3A_275 = vector.broadcast %scan3A_254 : f32 to vector<16xf32>
      %mul3A_276 = arith.mulf %scan3A_273, %mul3A_275 : vector<16xf32>
      %add3A_277 = arith.addf %mul3A_276, %get3A_4 : vector<16xf32>
      %swap3A = arith.index_cast %scan3A_266 : i32 to index
      %swap3A_278 = arith.constant 0 : index
      %swap3A_279 = tpu.vector_load %arg8[%swap3A, %swap3A_278] {strides = array<i32>} : memref<16x16xf32, #tpu.memory_space<vmem>>, vector<1x16xf32>,
      %swap3A_280 = vector.shape_cast %swap3A_279 : vector<1x16xf32> to vector<16xf32>
      %swap3A_281 = vector.shape_cast %add3A_277 : vector<16xf32> to vector<1x16xf32>
      tpu.vector_store %arg8[%swap3A, %swap3A_278], %swap3A_281 {strides = array<i32>} : memref<16x16xf32, #tpu.memory_space<vmem>>, vector<1x16xf32>,
      %scan3A_282 = arith.constant 0 : i32
      scf.yield %scan3A_282 : i32
    }
    %scan3A_261 = arith.constant 16 : i32
    %mul3A_262 = arith.constant 128 : i32
    %mul3A_263 = arith.muli %add3A, %mul3A_262 : i32
    %add3A_264 = arith.constant 112 : i32
    %add3A_265 = arith.addi %mul3A_263, %add3A_264 : i32
    "tpu.region"() ({
      %run_scoped3A = tpu.sem_alloc : memref<!tpu.dma_semaphore, #tpu.memory_space<semaphore_mem>>
      %dma_start3A_266 = arith.constant 0 : i32
      %dma_start3A_267 = tpu.memref_slice %arg5[%add3A_265, %dma_start3A_266] : memref<4096x16xf32, #tpu.memory_space<hbm>> -> memref<16x16xf32, #tpu.memory_space<hbm>>
      %dma_start3A_268 = arith.constant 0 : i32
      %dma_start3A_269 = tpu.memref_slice %arg5[%add3A_265, %dma_start3A_268] : memref<4096x16xf32, #tpu.memory_space<hbm>> -> memref<16x16xf32, #tpu.memory_space<hbm>>
      tpu.enqueue_dma source(%arg8 : memref<16x16xf32, #tpu.memory_space<vmem>>) target(%dma_start3A_269 : memref<16x16xf32, #tpu.memory_space<hbm>>) target_semaphore(%run_scoped3A : memref<!tpu.dma_semaphore, #tpu.memory_space<semaphore_mem>>)
      %dma_wait3A_270 = arith.constant 0 : i32
      %dma_wait3A_271 = tpu.memref_slice %arg5[%add3A_265, %dma_wait3A_270] : memref<4096x16xf32, #tpu.memory_space<hbm>> -> memref<16x16xf32, #tpu.memory_space<hbm>>
      %dma_wait3A_272 = arith.constant 0 : i32
      %dma_wait3A_273 = tpu.memref_slice %arg5[%add3A_265, %dma_wait3A_272] : memref<4096x16xf32, #tpu.memory_space<hbm>> -> memref<16x16xf32, #tpu.memory_space<hbm>>
      tpu.wait_dma2 semaphore(%run_scoped3A : memref<!tpu.dma_semaphore, #tpu.memory_space<semaphore_mem>>) src(%arg8 : memref<16x16xf32, #tpu.memory_space<vmem>>) dst(%dma_wait3A_273 : memref<16x16xf32, #tpu.memory_space<hbm>>)
      tpu.yield
    }) : () -> ()
    return
  }
}

module attributes {stable_mosaic.version = 14 : i64} {
  func.func @_project_body(%arg0: i32, %arg1: memref<16x64xf32, #tpu.memory_space<vmem>>, %arg2: memref<64x8192xf32, #tpu.memory_space<vmem>>, %arg3: memref<16x8192xf32, #tpu.memory_space<vmem>>) attributes {dimension_semantics = [#tpu.dimension_semantics<arbitrary>], iteration_bounds = array<i64: 123>, scalar_prefetch = 0 : i64, scratch_operands = 0 : i64, tpu.core_type = #tpu.core_type<tc>, window_params = [{pipeline_mode = #tpu.pipeline_mode<synchronous>, transform_indices = @transform_0, window_bounds = array<i64: 16, 64>}, {transform_indices = @transform_1, window_bounds = array<i64: 64, 8192>}, {transform_indices = @transform_2, window_bounds = array<i64: 16, 8192>}]} {
    %get3A = arith.constant 0 : index
    %get3A_0 = arith.constant 0 : index
    %get3A_1 = vector.load %arg1[%get3A, %get3A_0] : memref<16x64xf32, #tpu.memory_space<vmem>>, vector<16x64xf32>
    %get3A_2 = arith.constant 0 : index
    %get3A_3 = arith.constant 0 : index
    %get3A_4 = vector.load %arg2[%get3A_2, %get3A_3] : memref<64x8192xf32, #tpu.memory_space<vmem>>, vector<64x8192xf32>
    %dot_general3A = arith.constant dense<0.000000e+00> : vector<16x8192xf32>
    %dot_general3A_5 = tpu.matmul %get3A_1, %get3A_4, %dot_general3A {dimension_numbers = #tpu.dot_dimension_numbers<[1], [0], [0], [1], [0, 0, 1, 1], [], []>, transpose_lhs_hint = false} : vector<16x64xf32>, vector<64x8192xf32>, vector<16x8192xf32> -> vector<16x8192xf32>
    %eq3A = arith.constant 0 : i32
    %eq3A_6 = arith.cmpi eq, %arg0, %eq3A : i32
    %iota3A = tpu.iota {dimensions = array<i32: 1>} : vector<16x8192xi32>
    %eq3A_7 = arith.constant 0 : i32
    %eq3A_8 = vector.broadcast %eq3A_7 : i32 to vector<16x8192xi32>
    %eq3A_9 = arith.cmpi eq, %iota3A, %eq3A_8 : vector<16x8192xi32>
    %and3A = vector.broadcast %eq3A_6 : i1 to vector<16x8192xi1>
    %and3A_10 = arith.andi %and3A, %eq3A_9 : vector<16x8192xi1>
    %jit3A = arith.constant 0.000000e+00 : f32
    %broadcast_in_dim3A = vector.broadcast %jit3A : f32 to vector<16x8192xf32>
    %select_n3A = arith.select %and3A_10, %broadcast_in_dim3A, %dot_general3A_5 : vector<16x8192xi1>, vector<16x8192xf32>
    %swap3A = arith.constant 0 : index
    %swap3A_11 = arith.constant 0 : index
    %swap3A_12 = vector.load %arg3[%swap3A, %swap3A_11] : memref<16x8192xf32, #tpu.memory_space<vmem>>, vector<16x8192xf32>
    tpu.vector_store %arg3[%swap3A, %swap3A_11], %select_n3A {strides = array<i32>} : memref<16x8192xf32, #tpu.memory_space<vmem>>, vector<16x8192xf32>,
    return
  }
  func.func @transform_0(%arg0: i32) -> (i32, i32) {
    %c0_i32 = arith.constant 0 : i32
    %c0_i32_0 = arith.constant 0 : i32
    %c0_i32_1 = arith.constant 0 : i32
    return %c0_i32, %c0_i32_0 : i32, i32
  }
  func.func @transform_1(%arg0: i32) -> (i32, i32) {
    %c0_i32 = arith.constant 0 : i32
    %c0_i32_0 = arith.constant 0 : i32
    return %c0_i32, %arg0 : i32, i32
  }
  func.func @transform_2(%arg0: i32) -> (i32, i32) {
    %c0_i32 = arith.constant 0 : i32
    %c0_i32_0 = arith.constant 0 : i32
    return %c0_i32, %arg0 : i32, i32
  }
}

</mosaic_0001>

<sc_bundles>
// kernel: kernel.4.cloned.1.call-start
scs
__scs_entry_jumppad:
0x0: {  	(pc) =	sbr.rel $0x88, $3  }
0x1: {  	(tag) =	ssettag $0x0;
	lr =	simm.s32 $0x1  }
0x2: {  	[smem:$0x3F9D] =	sst lr;
	_ =	strace $0xD0000000  }
0x3: {  	_ = 	snop  }
0x4: {  	_ = 	snop  }
0x5: {  	_ = 	snop  }
0x6: {  	_ = 	snop  }
0x7: {  	_ = 	snop  }
__scs_overlays_trampoline_lowered:
0x8: {  	[smem:$0x3FAC] =	sst s0  }
0x9: {  	[smem:$0x3FAD] =	sst s1  }
0xa: {  	[smem:$0x3FAE] =	sst s2  }
0xb: {  	[smem:$0x3FAF] =	sst s3  }
0xc: {  	[smem:$0x3FB0] =	sst s4  }
0xd: {  	[smem:$0x3FB1] =	sst s5  }
0xe: {  	[smem:$0x3FB2] =	sst s6  }
0xf: {  	[smem:$0x3FB3] =	sst s7  }
0x10: {  	[smem:$0x3FB4] =	sst s8  }
0x11: {  	[smem:$0x3FB5] =	sst s9;
	s0 =	simm.s32 @!p0 $0x0  }
0x12: {  	s1 =	sld [smem:$0x3F9B];
	s0 =	simm.s32 @p0 $0x1  }
0x13: {  	[smem:$0x3FB6] =	sst s0;
	s0 =	simm.s32 @!p1 $0x0  }
0x14: {  	s2 =	sld [smem:$0x3F9A];
	s0 =	simm.s32 @p1 $0x1  }
0x15: {  	[smem:$0x3FB7] =	sst s0;
	s0 =	simm.s32 @!p2 $0x0  }
0x16: {  	s3 =	sld [smem:$0x3FDB];
	s0 =	simm.s32 @p2 $0x1  }
0x17: {  	s4 =	simm.s32 $0x1BF5;
	[smem:$0x3FB9] =	sst s0  }
0x18: {  	s0 =	sld [smem:$0x3F9C];
	_ =	swait.ge [sflag:s4], $0x0  }
0x19: {  	s7 =	sld [smem:$0x3F9D]  }
0x1a: {  	s8 =	sadd.s32 $0xFFFFE003, lr  }
0x1b: {  	s9 =	sadd.s32 $0xFFFFFEF7, lr;
	s5 =	simm.s32 $0xFFFFFFFF;
	p2 =	slt.u32 s8, $0xFFFFF086  }
0x1c: {  	p1 =	slt.u32 s9, $0xF7A;
	s5 =	simm.s32 @!p2 $0x0  }
0x1d: {  	s5 =	simm.s32 @p1 $0x1;
	p0 =	seq.s32 s7, s2  }
0x1e: {  	s7 =	smul.u32 @!p0 $0xF7A, s2;
	p2 =	seq.s32 @!p0 s5, $0x0  }
0x1f: {  	s9 =	smul.u32 $0xF7A, s1;
	s8 =	simm.s32 @!p0 $0x1BF5;
	p2 =	por !p2, p0  }
0x20: {  	[sflag:s8] =	ssyncset.s32 @!p0 $0xFFFFF086;
	s6 =	sadd.s32 @!p0 s3, s7;
	s7 =	simm.s32 @!p0 $0x108  }
0x21: {  	s3 =	sadd.s32 s3, s9;
	s6 =	sadd.s32 @!p0 $0x88, s6;
	s7 =	simm.s32 @p2 $0x1082  }
0x22: {  	[simem:s7], [sflag:s8] =	dma.local @!p0 [hbm:s6], $0xF7A  }
0x23: {  	s9 =	sor.u32 $0xD0000000, s2;
	s6 =	simm.s32 $0x108;
	_ =	swait.ge @!p0 [sflag:s8], $0x0  }
0x24: {  	s3 =	sadd.s32 $0x88, s3;
	s6 =	simm.s32 @!p1 $0x1082;
	[sflag:s4] =	ssyncset.s32 $0xFFFFF086  }
0x25: {  	[simem:s6], [sflag:s4] =	dma.local [hbm:s3], $0xF7A  }
0x26: {  	[smem:$0x3F9D] =	sst s1;
	(tag) =	ssettag s2;
	_ =	strace s9  }
0x27: {  	s1 =	sld [smem:$0x3FAD]  }
0x28: {  	s2 =	sld [smem:$0x3FAE]  }
0x29: {  	s4 =	sld [smem:$0x3FB0]  }
0x2a: {  	p0 =	seq.s32 s5, $0x0;
	s5 =	sld [smem:$0x3FB1]  }
0x2b: {  	s6 =	sld [smem:$0x3FB2]  }
0x2c: {  	s7 =	sld [smem:$0x3FB3]  }
0x2d: {  	s3 =	simm.s32 $0x108;
	s8 =	sld [smem:$0x3FB4]  }
0x2e: {  	s3 =	simm.s32 @!p0 $0x1082;
	s9 =	sld [smem:$0x3FB5]  }
0x2f: {  	lr =	sadd.s32 s0, s3;
	s0 =	sld [smem:$0x3FAC]  }
0x30: {  	s3 =	sld [smem:$0x3FAF]  }
0x31: {  	[smem:$0x3FB8] =	sst s10  }
0x32: {  	s10 =	sld [smem:$0x3FB6];
	_ =	sdelay $0x3  }
0x33: {  	p0 =	seq.s32 s10, $0x1;
	s10 =	sld [smem:$0x3FB8];
	_ =	sdelay $0x3  }
0x34: {  	[smem:$0x3FB8] =	sst s10  }
0x35: {  	s10 =	sld [smem:$0x3FB7];
	_ =	sdelay $0x3  }
0x36: {  	p1 =	seq.s32 s10, $0x1;
	s10 =	sld [smem:$0x3FB8];
	_ =	sdelay $0x3  }
0x37: {  	[smem:$0x3FB8] =	sst s10  }
0x38: {  	s10 =	sld [smem:$0x3FB9]  }
0x39: {  	_ = 	snop;
	(pc) =	sbr.ind lr, $3  }
0x3a: {  	_ = 	snop  }
0x3b: {  	_ = 	snop  }
0x3c: {  	p2 =	seq.s32 s10, $0x1;
	s10 =	sld [smem:$0x3FB8]  }
0x3d: {  	_ =	shalt  }
0x3e: {  	_ =	shalt  }
0x3f: {  	_ =	shalt  }
0x40: {  	_ =	shalt  }
0x41: {  	_ =	shalt  }
0x42: {  	_ =	shalt  }
0x43: {  	_ =	shalt  }
0x44: {  	_ =	shalt  }
0x45: {  	_ =	shalt  }
0x46: {  	_ =	shalt  }
0x47: {  	_ =	shalt  }
0x48: {  	_ =	shalt  }
0x49: {  	_ =	shalt  }
0x4a: {  	_ =	shalt  }
0x4b: {  	_ =	shalt  }
0x4c: {  	_ =	shalt  }
0x4d: {  	_ =	shalt  }
0x4e: {  	_ =	shalt  }
0x4f: {  	_ =	shalt  }
0x50: {  	_ =	shalt  }
0x51: {  	_ =	shalt  }
0x52: {  	_ =	shalt  }
0x53: {  	_ =	shalt  }
0x54: {  	_ =	shalt  }
0x55: {  	_ =	shalt  }
0x56: {  	_ =	shalt  }
0x57: {  	_ =	shalt  }
0x58: {  	_ =	shalt  }
0x59: {  	_ =	shalt  }
0x5a: {  	_ =	shalt  }
0x5b: {  	_ =	shalt  }
0x5c: {  	_ =	shalt  }
0x5d: {  	_ =	shalt  }
0x5e: {  	_ =	shalt  }
0x5f: {  	_ =	shalt  }
0x60: {  	_ =	shalt  }
0x61: {  	_ =	shalt  }
0x62: {  	_ =	shalt  }
0x63: {  	_ =	shalt  }
0x64: {  	_ =	shalt  }
0x65: {  	_ =	shalt  }
0x66: {  	_ =	shalt  }
0x67: {  	_ =	shalt  }
0x68: {  	_ =	shalt  }
0x69: {  	_ =	shalt  }
0x6a: {  	_ =	shalt  }
0x6b: {  	_ =	shalt  }
0x6c: {  	_ =	shalt  }
0x6d: {  	_ =	shalt  }
0x6e: {  	_ =	shalt  }
0x6f: {  	_ =	shalt  }
0x70: {  	_ =	shalt  }
0x71: {  	_ =	shalt  }
0x72: {  	_ =	shalt  }
0x73: {  	_ =	shalt  }
0x74: {  	_ =	shalt  }
0x75: {  	_ =	shalt  }
0x76: {  	_ =	shalt  }
0x77: {  	_ =	shalt  }
0x78: {  	_ =	shalt  }
0x79: {  	_ =	shalt  }
0x7a: {  	_ =	shalt  }
0x7b: {  	_ =	shalt  }
0x7c: {  	_ =	shalt  }
0x7d: {  	_ =	shalt  }
0x7e: {  	_ =	shalt  }
0x7f: {  	_ =	shalt  }
0x80: {  	_ =	shalt  }
0x81: {  	_ =	shalt  }
0x82: {  	_ =	shalt  }
0x83: {  	_ =	shalt  }
0x84: {  	_ =	shalt  }
0x85: {  	_ =	shalt  }
0x86: {  	_ =	shalt  }
0x87: {  	_ =	shalt  }
.Lfunc_end0:
.L_simem_size_0:
called_computation_lowered:
.L_overlay_start_0:
0x88: {  	s2 =	sld [smem:$0x3FD9]  }
0x89: {  	s3 =	sld [smem:$0x3FFE];
	_ =	sdelay $0x1  }
0x8a: {  	s1 =	srdreg.scid  }
0x8b: {  	s0 =	sand.u32 $0x1, s1  }
0x8c: {  	s17 =	sshll.u32 s0, $0xA;
	s2 =	sadd.s32 s3, s2  }
0x8d: {  	s2 =	sadd.s32 s2, s17  }
0x8e: {  	[smem:$0x3FC4] =	sst s2  }
0x8f: {  	_ = 	snop  }
0x90: {  	s2 =	sld [smem:$0x3FD0];
	(tm) =	ssettm $0x1  }
0x91: {  	s18 =	sld [smem:$0x3FFB];
	_ =	sdelay $0x3  }
0x92: {  	_ =	strace s18  }
0x93: {  	s3 =	sld [smem:$0x3FFC];
	_ =	sdelay $0x3  }
0x94: {  	_ =	strace s3  }
0x95: {  	s3 =	sld [smem:$0x3FFD];
	_ =	sdelay $0x3  }
0x96: {  	_ =	strace s3  }
0x97: {  	_ =	strace $0x8FFFFFFF  }
0x98: {  	s19 =	sld [smem:$0x3FDB];
	_ =	sdelay $0x1  }
0x99: {  	s4 =	simm.s32 $_scs_section_size  }
0x9a: {  	s5 =	simm.s32 $_size__tile_overlayer_lowered;
	s6 =	simm.s32 $_tile_overlayer_lowered  }
0x9b: {  	s22 =	simm.s32 $0x1BFF;
	s21 =	sshll.u32 s6, $0x1;
	s3 =	sadd.s32 s4, s19  }
0x9c: {  	s7 =	simm.s32 $0x0;
	s20 =	sshll.u32 s5, $0x1;
	s5 =	sadd.s32 s21, s3  }
0x9d: {  	[timem:s7], [sflag:s22] =	dma.local [hbm:s5], s20  }
0x9e: {  	_ =	swait.ge [sflag:s22], s20  }
0x9f: {  	s4 =	ssub.s32 $0x0, s20;
	[sflag:s22] =	ssyncset.done $0x0  }
0xa0: {  	[sflag:s22] =	ssyncadd.s32 s4;
	_ =	sdelay $0x1  }
0xa1: {  	s23 =	simm.s32 $0x1B8B  }
0xa2: {  	_ =	swait.ge [sflag:s23], $0x1  }
0xa3: {  	[sflag:s23] =	ssyncset.done $0x0  }
0xa4: {  	s25 =	simm.s32 $0x1B8E;
	s24 =	sld [smem:$0x3FFE];
	[sflag:s23] =	ssyncadd.s32 $0xFFFFFFFF  }
0xa5: {  	s26 =	simm.s32 $execute0_lowered;
	[smem:$0x3FD2] =	sst s25  }
0xa6: {  	s5 =	sshll.u32 s26, $0x1;
	_ =	strace $0x80000046;
	[dreg:$0x1] =	wrdreg $0xFFFFFFFF  }
0xa7: {  	s28 =	simm.s32 $_size_execute0_lowered;
	s3 =	sadd.s32 s3, s5;
	[dreg:$0x0] =	wrdreg $0x0  }
0xa8: {  	s5 =	sshll.u32 s28, $0x1;
	[dreg:$0x2] =	wrdreg s3  }
0xa9: {  	[dreg:$0x3] =	wrdreg s5  }
0xaa: {  	[dreg:$0x4] =	wrdreg $0xC0  }
0xab: {  	_ =	task [dreg:s7], $0x5FFFF  }
0xac: {  	[dreg:$0x1] =	wrdreg $0xFFFFFFFF  }
0xad: {  	[dreg:$0x0] =	wrdreg $0x60  }
0xae: {  	[dreg:$0x2] =	wrdreg s24  }
0xaf: {  	[dreg:$0x3] =	wrdreg s2  }
0xb0: {  	[dreg:$0x4] =	wrdreg $0x9  }
0xb1: {  	_ =	task.clear_ibuf [dreg:s7], $0x5FFFF;
	_ =	strace $0x90000046  }
0xb2: {  	s29 =	simm.s32 $0x9;
	_ =	strace $0x80000048  }
0xb3: {  	_ =	swait.ge [sflag:s29], $0x1  }
0xb4: {  	[sflag:s29] =	ssyncadd.s32 $0xFFFFFFFF  }
0xb5: {  	_ =	strace $0x90000048  }
0xb6: {  	_ =	sfence  }
0xb7: {  	s30 =	sld [smem:$0x0];
	_ =	sdelay $0x2  }
0xb8: {  	s31 =	sshll.u32 s1, $0xD;
	s1 =	sshrl.u32 s1, $0x2  }
0xb9: {  	s3 =	sand.u32 $0x4000, s31;
	s1 =	sadd.s32 s1, s30  }
0xba: {  	s0 =	sor.u32 s3, s0;
	s1 =	sshll.u32 s1, $0x11  }
0xbb: {  	s0 =	sor.u32 s1, s0  }
0xbc: {  	s0 =	sadd.s32 $0x8F2B, s0  }
0xbd: {  	[sflag:s0] =	ssyncadd.remote.s32 $0x1  }
0xbe: {  	_ =	sfence.sel $0xFFFF  }
0xbf: {  	[dreg:$0x0] =	wrdreg $0xFFFFFFFF;
	(pc) =	sbr.abs _section_cstart, $3  }
0xc0: {  	[dreg:$0x1] =	wrdreg $0xFFFFFFFF  }
0xc1: {  	_ =	task.clear_ibuf [dreg:s7], $0x2FFFF;
	_ =	strace $0x9FFFFFFF  }
0xc2: {  	(tm) =	ssettm $0x7FFFFFFF  }
0xc3: {  	_ =	shalt  }
tec
execute0_lowered:
.L_overlay_start_1:
0x0: {  	(tag) =	ssettag $0x1  }
0x1: {  	s0 =	srdreg.scid  }
0x2: {  	s2 =	stileid.u32;
	s1 =	rddreg [dreg:$0x0]  }
0x3: {  	s3 =	simm.s32 $0x0;
	s15 =	simm.s32 $0x3;
	s16 =	simm.s32 $0x1F500  }
0x4: {  	s17 =	simm.s32 $0xC80;
	s18 =	simm.s32 $0x6400;
	s19 =	simm.s32 $0x12C00  }
0x5: {  	s20 =	simm.s32 $0x1;
	s21 =	simm.s32 $0x1F400;
	s22 =	simm.s32 $0x1900  }
0x6: {  	s23 =	simm.s32 $0x2;
	s0 =	sand.u32 $0x1, s0;
	s2 =	sshll.u32 s2, $0x1  }
0x7: {  	s24 =	simm.s32 $0x2580;
	s25 =	simm.s32 $0x3200;
	s2 =	sor.u32 s0, s2  }
0x8: {  	s26 =	simm.s32 $0x3E80;
	s28 =	simm.s32 $0x4B00;
	s4 =	smul.u32 $0xC80, s2  }
0x9: {  	s29 =	simm.s32 $0x5780;
	s30 =	simm.s32 $0x0;
	[smem:$0x7FF] =	sst s3  }
0xa: {  	_ =	strace $0x80000047;
	s2 =	sshll.u32 s2, $0x8;
	s5 =	sadd.s32 s4, s1  }
0xb: {  	s4 =	sadd.s32 $0x800, s1;
	s1 =	sadd.s32 s2, s1;
	s5 =	sadd.s32 $0x1E8E00, s5  }
0xc: {  	s0 =	ssub.s32 $0x2, s0;
	s6 =	sadd.s32 $0x201E00, s1;
	s7 =	sadd.s32 $0x201E20, s1  }
0xd: {  	s31 =	sshrl.u32 s0, $0x1;
	s8 =	sadd.s32 $0x201E40, s1;
	s9 =	sadd.s32 $0x201E60, s1  }
0xe: {  	s0 =	ssub.s32 s0, s31;
	s10 =	sadd.s32 $0x201E80, s1;
	s11 =	sadd.s32 $0x201EA0, s1  }
0xf: {  	s14 =	smax.u32 s0, $0x1;
	s12 =	sadd.s32 $0x201EC0, s1;
	s13 =	sadd.s32 $0x201EE0, s1  }
.LBB2_1:
0x10: {  	[tilespmem:s3], [sflag:$0x3] =	stream.linear.gather [hbm4b:s5+s3], $0x6400, $0x38;
	[tilespmem:$0x1F510] =	vst v63  }
0x11: {  	_ =	swait.ge [sflag:s15], $0x6400  }
0x12: {  	[sflag:s15] =	ssyncset.done $0x0  }
0x13: {  	[sflag:s15] =	ssyncadd.s32 $0xFFFF9C00  }
0x14: {  	s0 =	rddreg [dreg:$0x1]  }
0x15: {  	[tilespmem:s16], [sflag:$0x3] =	stream.linear.gather [hbm4b:s0+s3], $0x10, $0x38;
	[tilespmem:$0x1F510] =	vst v63  }
0x16: {  	_ =	swait.ge [sflag:s15], $0x10  }
0x17: {  	[sflag:s15] =	ssyncset.done $0x0  }
0x18: {  	[sflag:s15] =	ssyncadd.s32 $0xFFFFFFF0  }
0x19: {  	v0 =	vld [tilespmem:$0x1F500];
	[tilespmem:s18], [sflag:$0x1] =	stream.indirect.gather [hbm4b:s4+s17], $0x10, s3, s17, $0xb8  }
0x1a: {  	_ = 	snop  }
0x1b: {  	[tilespmem:s19], [sflag:$0x2] =	stream.indirect.gather [hbm4b:s4+s17], $0x10, s17, s17, $0xb8;
	[tilespmem:$0x1F510] =	vst v63  }
0x1c: {  	_ =	swait.ge [sflag:s20], $0xC800  }
0x1d: {  	[sflag:s20] =	ssyncset.done $0x0  }
0x1e: {  	s1 =	simm.s32 $0x6440;
	s31 =	simm.s32 $0x0;
	[sflag:s20] =	ssyncadd.s32 $0xFFFF3800  }
.LBB2_2:
0x1f: {  	v1 =	vmov s1;
	_ =	sdelay $0x3  }
0x20: {  	s0 =	simm.s32 $0x0  }
0x21: {  	v2 =	vld.idx.msk [tilespmem:v1+s0+$0xFFFFFFC0 ss:$0x1], $0xffff;
	_ =	sdelay $0x1  }
0x22: {  	v3 =	vld.idx.msk [tilespmem:v1+s0+$0xFFFFFFD0 ss:$0x1], $0xffff;
	_ =	sdelay $0x1  }
0x23: {  	v4 =	vimm.f32 $0.0e+00;
	v5 =	vld.idx.msk [tilespmem:v1+s0+$0xFFFFFFE0 ss:$0x1], $0xffff  }
0x24: {  	v2 =	vadd.f32 v2, v4  }
0x25: {  	v4 =	vld.idx.msk [tilespmem:v1+s0+$0xFFFFFFF0 ss:$0x1], $0xffff  }
0x26: {  	v2 =	vadd.f32 v3, v2  }
0x27: {  	v6 =	vld.idx.msk [tilespmem:v1+s0+$0x0 ss:$0x1], $0xffff  }
0x28: {  	v3 =	vadd.f32 v5, v2  }
0x29: {  	v2 =	vld.idx.msk [tilespmem:v1+s0+$0x10 ss:$0x1], $0xffff  }
0x2a: {  	v4 =	vadd.f32 v4, v3  }
0x2b: {  	v3 =	vld.idx.msk [tilespmem:v1+s0+$0x20 ss:$0x1], $0xffff  }
0x2c: {  	v5 =	vadd.f32 v6, v4  }
0x2d: {  	s2 =	simm.s32 $0x400;
	v4 =	vld.idx.msk [tilespmem:v1+s0+$0x30 ss:$0x1], $0xffff;
	s0 =	simm.s32 $0x80  }
.LBB2_3:
0x2e: {  	p0 =	sne.s32 s2, $0x3000;
	v6 =	vld.idx.msk [tilespmem:v1+s0+$0xFFFFFFC0 ss:$0x1], $0xffff;
	v2 =	vadd.f32 v2, v5;
	_ =	sdelay $0x1  }
0x2f: {  	v5 =	vld.idx.msk [tilespmem:v1+s0+$0xFFFFFFD0 ss:$0x1], $0xffff;
	v2 =	vadd.f32 v3, v2;
	_ =	sdelay $0x1  }
0x30: {  	v3 =	vld.idx.msk [tilespmem:v1+s0+$0xFFFFFFE0 ss:$0x1], $0xffff;
	v2 =	vadd.f32 v4, v2;
	_ =	sdelay $0x1  }
0x31: {  	v2 =	vadd.f32 v6, v2;
	v4 =	vld.idx.msk [tilespmem:v1+s0+$0xFFFFFFF0 ss:$0x1], $0xffff;
	_ =	sdelay $0x1  }
0x32: {  	v2 =	vadd.f32 v5, v2;
	v5 =	vld.idx.msk [tilespmem:v1+s0+$0x0 ss:$0x1], $0xffff;
	_ =	sdelay $0x1  }
0x33: {  	v3 =	vadd.f32 v3, v2;
	v2 =	vld.idx.msk [tilespmem:v1+s0+$0x10 ss:$0x1], $0xffff  }
.Ltmp0:
0x34: {  	(pc) =	sbr.rel @p0 .LBB2_3-.Ltmp0, $3  }
0x35: {  	v4 =	vadd.f32 v4, v3;
	v3 =	vld.idx.msk [tilespmem:v1+s0+$0x20 ss:$0x1], $0xffff;
	_ =	sdelay $0x1  }
0x36: {  	v5 =	vadd.f32 v5, v4;
	v4 =	vld.idx.msk [tilespmem:v1+s0+$0x30 ss:$0x1], $0xffff  }
0x37: {  	s0 =	sshra.s32 s2, $0x2;
	s2 =	sadd.s32 $0x200, s2  }
0x38: {  	_ =	sdelay $0x2  }
0x39: {  	v2 =	vadd.f32 v2, v5  }
0x3a: {  	v59 =	vld.idx.msk [tilespmem:v1+s0+$0xFFFFFFC0 ss:$0x1], $0xffff  }
0x3b: {  	v2 =	vadd.f32 v3, v2  }
0x3c: {  	v3 =	vld.idx.msk [tilespmem:v1+s0+$0xFFFFFFD0 ss:$0x1], $0xffff  }
0x3d: {  	v2 =	vadd.f32 v4, v2  }
0x3e: {  	v60 =	vld.idx.msk [tilespmem:v1+s0+$0xFFFFFFE0 ss:$0x1], $0xffff  }
0x3f: {  	v2 =	vadd.f32 v59, v2  }
0x40: {  	v61 =	vld.idx.msk [tilespmem:v1+s0+$0xFFFFFFF0 ss:$0x1], $0xffff  }
0x41: {  	v2 =	vadd.f32 v3, v2  }
0x42: {  	v3 =	vld.idx.msk [tilespmem:v1+s0+$0x0 ss:$0x1], $0xffff  }
0x43: {  	v2 =	vadd.f32 v60, v2  }
0x44: {  	v62 =	vld.idx.msk [tilespmem:v1+s0+$0x10 ss:$0x1], $0xffff  }
0x45: {  	v2 =	vadd.f32 v61, v2  }
0x46: {  	v63 =	vld.idx.msk [tilespmem:v1+s0+$0x20 ss:$0x1], $0xffff  }
0x47: {  	v2 =	vadd.f32 v3, v2  }
0x48: {  	v1 =	vld.idx.msk [tilespmem:v1+s0+$0x30 ss:$0x1], $0xffff  }
0x49: {  	v2 =	vadd.f32 v62, v2;
	_ =	sdelay $0x1  }
0x4a: {  	v2 =	vadd.f32 v63, v2;
	_ =	sdelay $0x1  }
0x4b: {  	s2 =	sshll.u32 s31, $0x4;
	s31 =	sadd.s32 $0x1, s31;
	v1 =	vadd.f32 v1, v2  }
0x4c: {  	p0 =	sne.s32 s31, $0x10  }
.Ltmp1:
0x4d: {  	v1 =	vmul.f32 $4.999999890e-03, v1;
	(pc) =	sbr.rel @p0 .LBB2_2-.Ltmp1, $4  }
0x4e: {  	_ = 	snop  }
0x4f: {  	v1 =	vadd.f32 v1, v0  }
0x50: {  	s0 =	sand.u32 $0x3FFFFFF0, s2  }
0x51: {  	s1 =	sadd.s32 $0xC80, s1;
	[tilespmem:s0+$0x1F400] =	vst v1  }
0x52: {  	s31 =	simm.s32 $0x0  }
0x53: {  	[hbm4b:s6+s31] =	stream.linear.scatter [tilespmem:s21], [sflag:$0x3], $0x100, $0x38;
	[tilespmem:$0x1F510] =	vst v63  }
0x54: {  	_ =	swait.ge [sflag:s15], $0x100  }
0x55: {  	[sflag:s15] =	ssyncset.done $0x0  }
0x56: {  	s1 =	simm.s32 $0x6400;
	[sflag:s15] =	ssyncadd.s32 $0xFFFFFF00  }
0x57: {  	[tilespmem:s1], [sflag:$0x1] =	stream.indirect.gather [hbm4b:s4+s17], $0x10, s22, s17, $0xb8;
	[tilespmem:$0x1F510] =	vst v63  }
0x58: {  	_ =	swait.ge [sflag:s23], $0xC800  }
0x59: {  	[sflag:s23] =	ssyncset.done $0x0  }
0x5a: {  	[sflag:s23] =	ssyncadd.s32 $0xFFFF3800  }
.LBB2_6:
0x5b: {  	v1 =	vmov s1;
	_ =	sdelay $0x3  }
0x5c: {  	s0 =	simm.s32 $0x0  }
0x5d: {  	v2 =	vld.idx.msk [tilespmem:v1+s0+$0xC800 ss:$0x1], $0xffff;
	_ =	sdelay $0x1  }
0x5e: {  	v3 =	vld.idx.msk [tilespmem:v1+s0+$0xC810 ss:$0x1], $0xffff;
	_ =	sdelay $0x1  }
0x5f: {  	v4 =	vimm.f32 $0.0e+00;
	v5 =	vld.idx.msk [tilespmem:v1+s0+$0xC820 ss:$0x1], $0xffff  }
0x60: {  	v2 =	vadd.f32 v2, v4  }
0x61: {  	v4 =	vld.idx.msk [tilespmem:v1+s0+$0xC830 ss:$0x1], $0xffff  }
0x62: {  	v2 =	vadd.f32 v3, v2  }
0x63: {  	v6 =	vld.idx.msk [tilespmem:v1+s0+$0xC840 ss:$0x1], $0xffff  }
0x64: {  	v3 =	vadd.f32 v5, v2  }
0x65: {  	v2 =	vld.idx.msk [tilespmem:v1+s0+$0xC850 ss:$0x1], $0xffff  }
0x66: {  	v4 =	vadd.f32 v4, v3  }
0x67: {  	v3 =	vld.idx.msk [tilespmem:v1+s0+$0xC860 ss:$0x1], $0xffff  }
0x68: {  	v5 =	vadd.f32 v6, v4  }
0x69: {  	s2 =	simm.s32 $0x400;
	v4 =	vld.idx.msk [tilespmem:v1+s0+$0xC870 ss:$0x1], $0xffff;
	s0 =	simm.s32 $0x80  }
.LBB2_7:
0x6a: {  	p0 =	sne.s32 s2, $0x3000;
	v6 =	vld.idx.msk [tilespmem:v1+s0+$0xC800 ss:$0x1], $0xffff;
	v2 =	vadd.f32 v2, v5;
	_ =	sdelay $0x1  }
0x6b: {  	v5 =	vld.idx.msk [tilespmem:v1+s0+$0xC810 ss:$0x1], $0xffff;
	v2 =	vadd.f32 v3, v2;
	_ =	sdelay $0x1  }
0x6c: {  	v3 =	vld.idx.msk [tilespmem:v1+s0+$0xC820 ss:$0x1], $0xffff;
	v2 =	vadd.f32 v4, v2;
	_ =	sdelay $0x1  }
0x6d: {  	v2 =	vadd.f32 v6, v2;
	v4 =	vld.idx.msk [tilespmem:v1+s0+$0xC830 ss:$0x1], $0xffff;
	_ =	sdelay $0x1  }
0x6e: {  	v2 =	vadd.f32 v5, v2;
	v5 =	vld.idx.msk [tilespmem:v1+s0+$0xC840 ss:$0x1], $0xffff;
	_ =	sdelay $0x1  }
0x6f: {  	v3 =	vadd.f32 v3, v2;
	v2 =	vld.idx.msk [tilespmem:v1+s0+$0xC850 ss:$0x1], $0xffff  }
.Ltmp2:
0x70: {  	(pc) =	sbr.rel @p0 .LBB2_7-.Ltmp2, $3  }
0x71: {  	v4 =	vadd.f32 v4, v3;
	v3 =	vld.idx.msk [tilespmem:v1+s0+$0xC860 ss:$0x1], $0xffff;
	_ =	sdelay $0x1  }
0x72: {  	v5 =	vadd.f32 v5, v4;
	v4 =	vld.idx.msk [tilespmem:v1+s0+$0xC870 ss:$0x1], $0xffff  }
0x73: {  	s0 =	sshra.s32 s2, $0x2;
	s2 =	sadd.s32 $0x200, s2  }
0x74: {  	_ =	sdelay $0x2  }
0x75: {  	v2 =	vadd.f32 v2, v5  }
0x76: {  	v59 =	vld.idx.msk [tilespmem:v1+s0+$0xC800 ss:$0x1], $0xffff  }
0x77: {  	v2 =	vadd.f32 v3, v2  }
0x78: {  	v3 =	vld.idx.msk [tilespmem:v1+s0+$0xC810 ss:$0x1], $0xffff  }
0x79: {  	v2 =	vadd.f32 v4, v2  }
0x7a: {  	v60 =	vld.idx.msk [tilespmem:v1+s0+$0xC820 ss:$0x1], $0xffff  }
0x7b: {  	v2 =	vadd.f32 v59, v2  }
0x7c: {  	v61 =	vld.idx.msk [tilespmem:v1+s0+$0xC830 ss:$0x1], $0xffff  }
0x7d: {  	v2 =	vadd.f32 v3, v2  }
0x7e: {  	v3 =	vld.idx.msk [tilespmem:v1+s0+$0xC840 ss:$0x1], $0xffff  }
0x7f: {  	v2 =	vadd.f32 v60, v2  }
0x80: {  	v62 =	vld.idx.msk [tilespmem:v1+s0+$0xC850 ss:$0x1], $0xffff  }
0x81: {  	v2 =	vadd.f32 v61, v2  }
0x82: {  	v63 =	vld.idx.msk [tilespmem:v1+s0+$0xC860 ss:$0x1], $0xffff  }
0x83: {  	v2 =	vadd.f32 v3, v2  }
0x84: {  	v1 =	vld.idx.msk [tilespmem:v1+s0+$0xC870 ss:$0x1], $0xffff  }
0x85: {  	v2 =	vadd.f32 v62, v2;
	_ =	sdelay $0x1  }
0x86: {  	v2 =	vadd.f32 v63, v2;
	_ =	sdelay $0x1  }
0x87: {  	s2 =	sshll.u32 s31, $0x4;
	s31 =	sadd.s32 $0x1, s31;
	v1 =	vadd.f32 v1, v2  }
0x88: {  	p0 =	sne.s32 s31, $0x10  }
.Ltmp3:
0x89: {  	v1 =	vmul.f32 $4.999999890e-03, v1;
	(pc) =	sbr.rel @p0 .LBB2_6-.Ltmp3, $4  }
0x8a: {  	_ = 	snop  }
0x8b: {  	v1 =	vadd.f32 v1, v0  }
0x8c: {  	s0 =	sand.u32 $0x3FFFFFF0, s2  }
0x8d: {  	s1 =	sadd.s32 $0xC80, s1;
	[tilespmem:s0+$0x1F400] =	vst v1  }
0x8e: {  	s31 =	simm.s32 $0x0  }
0x8f: {  	[hbm4b:s7+s31] =	stream.linear.scatter [tilespmem:s21], [sflag:$0x3], $0x100, $0x38;
	[tilespmem:$0x1F510] =	vst v63  }
0x90: {  	_ =	swait.ge [sflag:s15], $0x100  }
0x91: {  	[sflag:s15] =	ssyncset.done $0x0  }
0x92: {  	[sflag:s15] =	ssyncadd.s32 $0xFFFFFF00  }
0x93: {  	[tilespmem:s19], [sflag:$0x2] =	stream.indirect.gather [hbm4b:s4+s17], $0x10, s24, s17, $0xb8;
	[tilespmem:$0x1F510] =	vst v63  }
0x94: {  	_ =	swait.ge [sflag:s20], $0xC800  }
0x95: {  	[sflag:s20] =	ssyncset.done $0x0  }
0x96: {  	s1 =	simm.s32 $0x6440;
	[sflag:s20] =	ssyncadd.s32 $0xFFFF3800  }
.LBB2_10:
0x97: {  	v1 =	vmov s1;
	_ =	sdelay $0x3  }
0x98: {  	s0 =	simm.s32 $0x0  }
0x99: {  	v2 =	vld.idx.msk [tilespmem:v1+s0+$0xFFFFFFC0 ss:$0x1], $0xffff;
	_ =	sdelay $0x1  }
0x9a: {  	v3 =	vld.idx.msk [tilespmem:v1+s0+$0xFFFFFFD0 ss:$0x1], $0xffff;
	_ =	sdelay $0x1  }
0x9b: {  	v4 =	vimm.f32 $0.0e+00;
	v5 =	vld.idx.msk [tilespmem:v1+s0+$0xFFFFFFE0 ss:$0x1], $0xffff  }
0x9c: {  	v2 =	vadd.f32 v2, v4  }
0x9d: {  	v4 =	vld.idx.msk [tilespmem:v1+s0+$0xFFFFFFF0 ss:$0x1], $0xffff  }
0x9e: {  	v2 =	vadd.f32 v3, v2  }
0x9f: {  	v6 =	vld.idx.msk [tilespmem:v1+s0+$0x0 ss:$0x1], $0xffff  }
0xa0: {  	v3 =	vadd.f32 v5, v2  }
0xa1: {  	v2 =	vld.idx.msk [tilespmem:v1+s0+$0x10 ss:$0x1], $0xffff  }
0xa2: {  	v4 =	vadd.f32 v4, v3  }
0xa3: {  	v3 =	vld.idx.msk [tilespmem:v1+s0+$0x20 ss:$0x1], $0xffff  }
0xa4: {  	v5 =	vadd.f32 v6, v4  }
0xa5: {  	s2 =	simm.s32 $0x400;
	v4 =	vld.idx.msk [tilespmem:v1+s0+$0x30 ss:$0x1], $0xffff;
	s0 =	simm.s32 $0x80  }
.LBB2_11:
0xa6: {  	p0 =	sne.s32 s2, $0x3000;
	v6 =	vld.idx.msk [tilespmem:v1+s0+$0xFFFFFFC0 ss:$0x1], $0xffff;
	v2 =	vadd.f32 v2, v5;
	_ =	sdelay $0x1  }
0xa7: {  	v5 =	vld.idx.msk [tilespmem:v1+s0+$0xFFFFFFD0 ss:$0x1], $0xffff;
	v2 =	vadd.f32 v3, v2;
	_ =	sdelay $0x1  }
0xa8: {  	v3 =	vld.idx.msk [tilespmem:v1+s0+$0xFFFFFFE0 ss:$0x1], $0xffff;
	v2 =	vadd.f32 v4, v2;
	_ =	sdelay $0x1  }
0xa9: {  	v2 =	vadd.f32 v6, v2;
	v4 =	vld.idx.msk [tilespmem:v1+s0+$0xFFFFFFF0 ss:$0x1], $0xffff;
	_ =	sdelay $0x1  }
0xaa: {  	v2 =	vadd.f32 v5, v2;
	v5 =	vld.idx.msk [tilespmem:v1+s0+$0x0 ss:$0x1], $0xffff;
	_ =	sdelay $0x1  }
0xab: {  	v3 =	vadd.f32 v3, v2;
	v2 =	vld.idx.msk [tilespmem:v1+s0+$0x10 ss:$0x1], $0xffff  }
.Ltmp4:
0xac: {  	(pc) =	sbr.rel @p0 .LBB2_11-.Ltmp4, $3  }
0xad: {  	v4 =	vadd.f32 v4, v3;
	v3 =	vld.idx.msk [tilespmem:v1+s0+$0x20 ss:$0x1], $0xffff;
	_ =	sdelay $0x1  }
0xae: {  	v5 =	vadd.f32 v5, v4;
	v4 =	vld.idx.msk [tilespmem:v1+s0+$0x30 ss:$0x1], $0xffff  }
0xaf: {  	s0 =	sshra.s32 s2, $0x2;
	s2 =	sadd.s32 $0x200, s2  }
0xb0: {  	_ =	sdelay $0x2  }
0xb1: {  	v2 =	vadd.f32 v2, v5  }
0xb2: {  	v59 =	vld.idx.msk [tilespmem:v1+s0+$0xFFFFFFC0 ss:$0x1], $0xffff  }
0xb3: {  	v2 =	vadd.f32 v3, v2  }
0xb4: {  	v3 =	vld.idx.msk [tilespmem:v1+s0+$0xFFFFFFD0 ss:$0x1], $0xffff  }
0xb5: {  	v2 =	vadd.f32 v4, v2  }
0xb6: {  	v60 =	vld.idx.msk [tilespmem:v1+s0+$0xFFFFFFE0 ss:$0x1], $0xffff  }
0xb7: {  	v2 =	vadd.f32 v59, v2  }
0xb8: {  	v61 =	vld.idx.msk [tilespmem:v1+s0+$0xFFFFFFF0 ss:$0x1], $0xffff  }
0xb9: {  	v2 =	vadd.f32 v3, v2  }
0xba: {  	v3 =	vld.idx.msk [tilespmem:v1+s0+$0x0 ss:$0x1], $0xffff  }
0xbb: {  	v2 =	vadd.f32 v60, v2  }
0xbc: {  	v62 =	vld.idx.msk [tilespmem:v1+s0+$0x10 ss:$0x1], $0xffff  }
0xbd: {  	v2 =	vadd.f32 v61, v2  }
0xbe: {  	v63 =	vld.idx.msk [tilespmem:v1+s0+$0x20 ss:$0x1], $0xffff  }
0xbf: {  	v2 =	vadd.f32 v3, v2  }
0xc0: {  	v1 =	vld.idx.msk [tilespmem:v1+s0+$0x30 ss:$0x1], $0xffff  }
0xc1: {  	v2 =	vadd.f32 v62, v2;
	_ =	sdelay $0x1  }
0xc2: {  	v2 =	vadd.f32 v63, v2;
	_ =	sdelay $0x1  }
0xc3: {  	s2 =	sshll.u32 s31, $0x4;
	s31 =	sadd.s32 $0x1, s31;
	v1 =	vadd.f32 v1, v2  }
0xc4: {  	p0 =	sne.s32 s31, $0x10  }
.Ltmp5:
0xc5: {  	v1 =	vmul.f32 $4.999999890e-03, v1;
	(pc) =	sbr.rel @p0 .LBB2_10-.Ltmp5, $4  }
0xc6: {  	_ = 	snop  }
0xc7: {  	v1 =	vadd.f32 v1, v0  }
0xc8: {  	s0 =	sand.u32 $0x3FFFFFF0, s2  }
0xc9: {  	s1 =	sadd.s32 $0xC80, s1;
	[tilespmem:s0+$0x1F400] =	vst v1  }
0xca: {  	s31 =	simm.s32 $0x0  }
0xcb: {  	[hbm4b:s8+s31] =	stream.linear.scatter [tilespmem:s21], [sflag:$0x3], $0x100, $0x38;
	[tilespmem:$0x1F510] =	vst v63  }
0xcc: {  	_ =	swait.ge [sflag:s15], $0x100  }
0xcd: {  	[sflag:s15] =	ssyncset.done $0x0  }
0xce: {  	s1 =	simm.s32 $0x6400;
	[sflag:s15] =	ssyncadd.s32 $0xFFFFFF00  }
0xcf: {  	[tilespmem:s1], [sflag:$0x1] =	stream.indirect.gather [hbm4b:s4+s17], $0x10, s25, s17, $0xb8;
	[tilespmem:$0x1F510] =	vst v63  }
0xd0: {  	_ =	swait.ge [sflag:s23], $0xC800  }
0xd1: {  	[sflag:s23] =	ssyncset.done $0x0  }
0xd2: {  	[sflag:s23] =	ssyncadd.s32 $0xFFFF3800  }
.LBB2_14:
0xd3: {  	v1 =	vmov s1;
	_ =	sdelay $0x3  }
0xd4: {  	s0 =	simm.s32 $0x0  }
0xd5: {  	v2 =	vld.idx.msk [tilespmem:v1+s0+$0xC800 ss:$0x1], $0xffff;
	_ =	sdelay $0x1  }
0xd6: {  	v3 =	vld.idx.msk [tilespmem:v1+s0+$0xC810 ss:$0x1], $0xffff;
	_ =	sdelay $0x1  }
0xd7: {  	v4 =	vimm.f32 $0.0e+00;
	v5 =	vld.idx.msk [tilespmem:v1+s0+$0xC820 ss:$0x1], $0xffff  }
0xd8: {  	v2 =	vadd.f32 v2, v4  }
0xd9: {  	v4 =	vld.idx.msk [tilespmem:v1+s0+$0xC830 ss:$0x1], $0xffff  }
0xda: {  	v2 =	vadd.f32 v3, v2  }
0xdb: {  	v6 =	vld.idx.msk [tilespmem:v1+s0+$0xC840 ss:$0x1], $0xffff  }
0xdc: {  	v3 =	vadd.f32 v5, v2  }
0xdd: {  	v2 =	vld.idx.msk [tilespmem:v1+s0+$0xC850 ss:$0x1], $0xffff  }
0xde: {  	v4 =	vadd.f32 v4, v3  }
0xdf: {  	v3 =	vld.idx.msk [tilespmem:v1+s0+$0xC860 ss:$0x1], $0xffff  }
0xe0: {  	v5 =	vadd.f32 v6, v4  }
0xe1: {  	s2 =	simm.s32 $0x400;
	v4 =	vld.idx.msk [tilespmem:v1+s0+$0xC870 ss:$0x1], $0xffff;
	s0 =	simm.s32 $0x80  }
.LBB2_15:
0xe2: {  	p0 =	sne.s32 s2, $0x3000;
	v6 =	vld.idx.msk [tilespmem:v1+s0+$0xC800 ss:$0x1], $0xffff;
	v2 =	vadd.f32 v2, v5;
	_ =	sdelay $0x1  }
0xe3: {  	v5 =	vld.idx.msk [tilespmem:v1+s0+$0xC810 ss:$0x1], $0xffff;
	v2 =	vadd.f32 v3, v2;
	_ =	sdelay $0x1  }
0xe4: {  	v3 =	vld.idx.msk [tilespmem:v1+s0+$0xC820 ss:$0x1], $0xffff;
	v2 =	vadd.f32 v4, v2;
	_ =	sdelay $0x1  }
0xe5: {  	v2 =	vadd.f32 v6, v2;
	v4 =	vld.idx.msk [tilespmem:v1+s0+$0xC830 ss:$0x1], $0xffff;
	_ =	sdelay $0x1  }
0xe6: {  	v2 =	vadd.f32 v5, v2;
	v5 =	vld.idx.msk [tilespmem:v1+s0+$0xC840 ss:$0x1], $0xffff;
	_ =	sdelay $0x1  }
0xe7: {  	v3 =	vadd.f32 v3, v2;
	v2 =	vld.idx.msk [tilespmem:v1+s0+$0xC850 ss:$0x1], $0xffff  }
.Ltmp6:
0xe8: {  	(pc) =	sbr.rel @p0 .LBB2_15-.Ltmp6, $3  }
0xe9: {  	v4 =	vadd.f32 v4, v3;
	v3 =	vld.idx.msk [tilespmem:v1+s0+$0xC860 ss:$0x1], $0xffff;
	_ =	sdelay $0x1  }
0xea: {  	v5 =	vadd.f32 v5, v4;
	v4 =	vld.idx.msk [tilespmem:v1+s0+$0xC870 ss:$0x1], $0xffff  }
0xeb: {  	s0 =	sshra.s32 s2, $0x2;
	s2 =	sadd.s32 $0x200, s2  }
0xec: {  	_ =	sdelay $0x2  }
0xed: {  	v2 =	vadd.f32 v2, v5  }
0xee: {  	v59 =	vld.idx.msk [tilespmem:v1+s0+$0xC800 ss:$0x1], $0xffff  }
0xef: {  	v2 =	vadd.f32 v3, v2  }
0xf0: {  	v3 =	vld.idx.msk [tilespmem:v1+s0+$0xC810 ss:$0x1], $0xffff  }
0xf1: {  	v2 =	vadd.f32 v4, v2  }
0xf2: {  	v60 =	vld.idx.msk [tilespmem:v1+s0+$0xC820 ss:$0x1], $0xffff  }
0xf3: {  	v2 =	vadd.f32 v59, v2  }
0xf4: {  	v61 =	vld.idx.msk [tilespmem:v1+s0+$0xC830 ss:$0x1], $0xffff  }
0xf5: {  	v2 =	vadd.f32 v3, v2  }
0xf6: {  	v3 =	vld.idx.msk [tilespmem:v1+s0+$0xC840 ss:$0x1], $0xffff  }
0xf7: {  	v2 =	vadd.f32 v60, v2  }
0xf8: {  	v62 =	vld.idx.msk [tilespmem:v1+s0+$0xC850 ss:$0x1], $0xffff  }
0xf9: {  	v2 =	vadd.f32 v61, v2  }
0xfa: {  	v63 =	vld.idx.msk [tilespmem:v1+s0+$0xC860 ss:$0x1], $0xffff  }
0xfb: {  	v2 =	vadd.f32 v3, v2  }
0xfc: {  	v1 =	vld.idx.msk [tilespmem:v1+s0+$0xC870 ss:$0x1], $0xffff  }
0xfd: {  	v2 =	vadd.f32 v62, v2;
	_ =	sdelay $0x1  }
0xfe: {  	v2 =	vadd.f32 v63, v2;
	_ =	sdelay $0x1  }
0xff: {  	s2 =	sshll.u32 s31, $0x4;
	s31 =	sadd.s32 $0x1, s31;
	v1 =	vadd.f32 v1, v2  }
0x100: {  	p0 =	sne.s32 s31, $0x10  }
.Ltmp7:
0x101: {  	v1 =	vmul.f32 $4.999999890e-03, v1;
	(pc) =	sbr.rel @p0 .LBB2_14-.Ltmp7, $4  }
0x102: {  	_ = 	snop  }
0x103: {  	v1 =	vadd.f32 v1, v0  }
0x104: {  	s0 =	sand.u32 $0x3FFFFFF0, s2  }
0x105: {  	s1 =	sadd.s32 $0xC80, s1;
	[tilespmem:s0+$0x1F400] =	vst v1  }
0x106: {  	s31 =	simm.s32 $0x0  }
0x107: {  	[hbm4b:s9+s31] =	stream.linear.scatter [tilespmem:s21], [sflag:$0x3], $0x100, $0x38;
	[tilespmem:$0x1F510] =	vst v63  }
0x108: {  	_ =	swait.ge [sflag:s15], $0x100  }
0x109: {  	[sflag:s15] =	ssyncset.done $0x0  }
0x10a: {  	[sflag:s15] =	ssyncadd.s32 $0xFFFFFF00  }
0x10b: {  	[tilespmem:s19], [sflag:$0x2] =	stream.indirect.gather [hbm4b:s4+s17], $0x10, s26, s17, $0xb8;
	[tilespmem:$0x1F510] =	vst v63  }
0x10c: {  	_ =	swait.ge [sflag:s20], $0xC800  }
0x10d: {  	[sflag:s20] =	ssyncset.done $0x0  }
0x10e: {  	s1 =	simm.s32 $0x6440;
	[sflag:s20] =	ssyncadd.s32 $0xFFFF3800  }
.LBB2_18:
0x10f: {  	v1 =	vmov s1;
	_ =	sdelay $0x3  }
0x110: {  	s0 =	simm.s32 $0x0  }
0x111: {  	v2 =	vld.idx.msk [tilespmem:v1+s0+$0xFFFFFFC0 ss:$0x1], $0xffff;
	_ =	sdelay $0x1  }
0x112: {  	v3 =	vld.idx.msk [tilespmem:v1+s0+$0xFFFFFFD0 ss:$0x1], $0xffff;
	_ =	sdelay $0x1  }
0x113: {  	v4 =	vimm.f32 $0.0e+00;
	v5 =	vld.idx.msk [tilespmem:v1+s0+$0xFFFFFFE0 ss:$0x1], $0xffff  }
0x114: {  	v2 =	vadd.f32 v2, v4  }
0x115: {  	v4 =	vld.idx.msk [tilespmem:v1+s0+$0xFFFFFFF0 ss:$0x1], $0xffff  }
0x116: {  	v2 =	vadd.f32 v3, v2  }
0x117: {  	v6 =	vld.idx.msk [tilespmem:v1+s0+$0x0 ss:$0x1], $0xffff  }
0x118: {  	v3 =	vadd.f32 v5, v2  }
0x119: {  	v2 =	vld.idx.msk [tilespmem:v1+s0+$0x10 ss:$0x1], $0xffff  }
0x11a: {  	v4 =	vadd.f32 v4, v3  }
0x11b: {  	v3 =	vld.idx.msk [tilespmem:v1+s0+$0x20 ss:$0x1], $0xffff  }
0x11c: {  	v5 =	vadd.f32 v6, v4  }
0x11d: {  	s2 =	simm.s32 $0x400;
	v4 =	vld.idx.msk [tilespmem:v1+s0+$0x30 ss:$0x1], $0xffff;
	s0 =	simm.s32 $0x80  }
.LBB2_19:
0x11e: {  	p0 =	sne.s32 s2, $0x3000;
	v6 =	vld.idx.msk [tilespmem:v1+s0+$0xFFFFFFC0 ss:$0x1], $0xffff;
	v2 =	vadd.f32 v2, v5;
	_ =	sdelay $0x1  }
0x11f: {  	v5 =	vld.idx.msk [tilespmem:v1+s0+$0xFFFFFFD0 ss:$0x1], $0xffff;
	v2 =	vadd.f32 v3, v2;
	_ =	sdelay $0x1  }
0x120: {  	v3 =	vld.idx.msk [tilespmem:v1+s0+$0xFFFFFFE0 ss:$0x1], $0xffff;
	v2 =	vadd.f32 v4, v2;
	_ =	sdelay $0x1  }
0x121: {  	v2 =	vadd.f32 v6, v2;
	v4 =	vld.idx.msk [tilespmem:v1+s0+$0xFFFFFFF0 ss:$0x1], $0xffff;
	_ =	sdelay $0x1  }
0x122: {  	v2 =	vadd.f32 v5, v2;
	v5 =	vld.idx.msk [tilespmem:v1+s0+$0x0 ss:$0x1], $0xffff;
	_ =	sdelay $0x1  }
0x123: {  	v3 =	vadd.f32 v3, v2;
	v2 =	vld.idx.msk [tilespmem:v1+s0+$0x10 ss:$0x1], $0xffff  }
.Ltmp8:
0x124: {  	(pc) =	sbr.rel @p0 .LBB2_19-.Ltmp8, $3  }
0x125: {  	v4 =	vadd.f32 v4, v3;
	v3 =	vld.idx.msk [tilespmem:v1+s0+$0x20 ss:$0x1], $0xffff;
	_ =	sdelay $0x1  }
0x126: {  	v5 =	vadd.f32 v5, v4;
	v4 =	vld.idx.msk [tilespmem:v1+s0+$0x30 ss:$0x1], $0xffff  }
0x127: {  	s0 =	sshra.s32 s2, $0x2;
	s2 =	sadd.s32 $0x200, s2  }
0x128: {  	_ =	sdelay $0x2  }
0x129: {  	v2 =	vadd.f32 v2, v5  }
0x12a: {  	v59 =	vld.idx.msk [tilespmem:v1+s0+$0xFFFFFFC0 ss:$0x1], $0xffff  }
0x12b: {  	v2 =	vadd.f32 v3, v2  }
0x12c: {  	v3 =	vld.idx.msk [tilespmem:v1+s0+$0xFFFFFFD0 ss:$0x1], $0xffff  }
0x12d: {  	v2 =	vadd.f32 v4, v2  }
0x12e: {  	v60 =	vld.idx.msk [tilespmem:v1+s0+$0xFFFFFFE0 ss:$0x1], $0xffff  }
0x12f: {  	v2 =	vadd.f32 v59, v2  }
0x130: {  	v61 =	vld.idx.msk [tilespmem:v1+s0+$0xFFFFFFF0 ss:$0x1], $0xffff  }
0x131: {  	v2 =	vadd.f32 v3, v2  }
0x132: {  	v3 =	vld.idx.msk [tilespmem:v1+s0+$0x0 ss:$0x1], $0xffff  }
0x133: {  	v2 =	vadd.f32 v60, v2  }
0x134: {  	v62 =	vld.idx.msk [tilespmem:v1+s0+$0x10 ss:$0x1], $0xffff  }
0x135: {  	v2 =	vadd.f32 v61, v2  }
0x136: {  	v63 =	vld.idx.msk [tilespmem:v1+s0+$0x20 ss:$0x1], $0xffff  }
0x137: {  	v2 =	vadd.f32 v3, v2  }
0x138: {  	v1 =	vld.idx.msk [tilespmem:v1+s0+$0x30 ss:$0x1], $0xffff  }
0x139: {  	v2 =	vadd.f32 v62, v2;
	_ =	sdelay $0x1  }
0x13a: {  	v2 =	vadd.f32 v63, v2;
	_ =	sdelay $0x1  }
0x13b: {  	s2 =	sshll.u32 s31, $0x4;
	s31 =	sadd.s32 $0x1, s31;
	v1 =	vadd.f32 v1, v2  }
0x13c: {  	p0 =	sne.s32 s31, $0x10  }
.Ltmp9:
0x13d: {  	v1 =	vmul.f32 $4.999999890e-03, v1;
	(pc) =	sbr.rel @p0 .LBB2_18-.Ltmp9, $4  }
0x13e: {  	_ = 	snop  }
0x13f: {  	v1 =	vadd.f32 v1, v0  }
0x140: {  	s0 =	sand.u32 $0x3FFFFFF0, s2  }
0x141: {  	s1 =	sadd.s32 $0xC80, s1;
	[tilespmem:s0+$0x1F400] =	vst v1  }
0x142: {  	s31 =	simm.s32 $0x0  }
0x143: {  	[hbm4b:s10+s31] =	stream.linear.scatter [tilespmem:s21], [sflag:$0x3], $0x100, $0x38;
	[tilespmem:$0x1F510] =	vst v63  }
0x144: {  	_ =	swait.ge [sflag:s15], $0x100  }
0x145: {  	[sflag:s15] =	ssyncset.done $0x0  }
0x146: {  	s1 =	simm.s32 $0x6400;
	[sflag:s15] =	ssyncadd.s32 $0xFFFFFF00  }
0x147: {  	[tilespmem:s1], [sflag:$0x1] =	stream.indirect.gather [hbm4b:s4+s17], $0x10, s28, s17, $0xb8;
	[tilespmem:$0x1F510] =	vst v63  }
0x148: {  	_ =	swait.ge [sflag:s23], $0xC800  }
0x149: {  	[sflag:s23] =	ssyncset.done $0x0  }
0x14a: {  	[sflag:s23] =	ssyncadd.s32 $0xFFFF3800  }
.LBB2_22:
0x14b: {  	v1 =	vmov s1;
	_ =	sdelay $0x3  }
0x14c: {  	s0 =	simm.s32 $0x0  }
0x14d: {  	v2 =	vld.idx.msk [tilespmem:v1+s0+$0xC800 ss:$0x1], $0xffff;
	_ =	sdelay $0x1  }
0x14e: {  	v3 =	vld.idx.msk [tilespmem:v1+s0+$0xC810 ss:$0x1], $0xffff;
	_ =	sdelay $0x1  }
0x14f: {  	v4 =	vimm.f32 $0.0e+00;
	v5 =	vld.idx.msk [tilespmem:v1+s0+$0xC820 ss:$0x1], $0xffff  }
0x150: {  	v2 =	vadd.f32 v2, v4  }
0x151: {  	v4 =	vld.idx.msk [tilespmem:v1+s0+$0xC830 ss:$0x1], $0xffff  }
0x152: {  	v2 =	vadd.f32 v3, v2  }
0x153: {  	v6 =	vld.idx.msk [tilespmem:v1+s0+$0xC840 ss:$0x1], $0xffff  }
0x154: {  	v3 =	vadd.f32 v5, v2  }
0x155: {  	v2 =	vld.idx.msk [tilespmem:v1+s0+$0xC850 ss:$0x1], $0xffff  }
0x156: {  	v4 =	vadd.f32 v4, v3  }
0x157: {  	v3 =	vld.idx.msk [tilespmem:v1+s0+$0xC860 ss:$0x1], $0xffff  }
0x158: {  	v5 =	vadd.f32 v6, v4  }
0x159: {  	s2 =	simm.s32 $0x400;
	v4 =	vld.idx.msk [tilespmem:v1+s0+$0xC870 ss:$0x1], $0xffff;
	s0 =	simm.s32 $0x80  }
.LBB2_23:
0x15a: {  	p0 =	sne.s32 s2, $0x3000;
	v6 =	vld.idx.msk [tilespmem:v1+s0+$0xC800 ss:$0x1], $0xffff;
	v2 =	vadd.f32 v2, v5;
	_ =	sdelay $0x1  }
0x15b: {  	v5 =	vld.idx.msk [tilespmem:v1+s0+$0xC810 ss:$0x1], $0xffff;
	v2 =	vadd.f32 v3, v2;
	_ =	sdelay $0x1  }
0x15c: {  	v3 =	vld.idx.msk [tilespmem:v1+s0+$0xC820 ss:$0x1], $0xffff;
	v2 =	vadd.f32 v4, v2;
	_ =	sdelay $0x1  }
0x15d: {  	v2 =	vadd.f32 v6, v2;
	v4 =	vld.idx.msk [tilespmem:v1+s0+$0xC830 ss:$0x1], $0xffff;
	_ =	sdelay $0x1  }
0x15e: {  	v2 =	vadd.f32 v5, v2;
	v5 =	vld.idx.msk [tilespmem:v1+s0+$0xC840 ss:$0x1], $0xffff;
	_ =	sdelay $0x1  }
0x15f: {  	v3 =	vadd.f32 v3, v2;
	v2 =	vld.idx.msk [tilespmem:v1+s0+$0xC850 ss:$0x1], $0xffff  }
.Ltmp10:
0x160: {  	(pc) =	sbr.rel @p0 .LBB2_23-.Ltmp10, $3  }
0x161: {  	v4 =	vadd.f32 v4, v3;
	v3 =	vld.idx.msk [tilespmem:v1+s0+$0xC860 ss:$0x1], $0xffff;
	_ =	sdelay $0x1  }
0x162: {  	v5 =	vadd.f32 v5, v4;
	v4 =	vld.idx.msk [tilespmem:v1+s0+$0xC870 ss:$0x1], $0xffff  }
0x163: {  	s0 =	sshra.s32 s2, $0x2;
	s2 =	sadd.s32 $0x200, s2  }
0x164: {  	_ =	sdelay $0x2  }
0x165: {  	v2 =	vadd.f32 v2, v5  }
0x166: {  	v59 =	vld.idx.msk [tilespmem:v1+s0+$0xC800 ss:$0x1], $0xffff  }
0x167: {  	v2 =	vadd.f32 v3, v2  }
0x168: {  	v3 =	vld.idx.msk [tilespmem:v1+s0+$0xC810 ss:$0x1], $0xffff  }
0x169: {  	v2 =	vadd.f32 v4, v2  }
0x16a: {  	v60 =	vld.idx.msk [tilespmem:v1+s0+$0xC820 ss:$0x1], $0xffff  }
0x16b: {  	v2 =	vadd.f32 v59, v2  }
0x16c: {  	v61 =	vld.idx.msk [tilespmem:v1+s0+$0xC830 ss:$0x1], $0xffff  }
0x16d: {  	v2 =	vadd.f32 v3, v2  }
0x16e: {  	v3 =	vld.idx.msk [tilespmem:v1+s0+$0xC840 ss:$0x1], $0xffff  }
0x16f: {  	v2 =	vadd.f32 v60, v2  }
0x170: {  	v62 =	vld.idx.msk [tilespmem:v1+s0+$0xC850 ss:$0x1], $0xffff  }
0x171: {  	v2 =	vadd.f32 v61, v2  }
0x172: {  	v63 =	vld.idx.msk [tilespmem:v1+s0+$0xC860 ss:$0x1], $0xffff  }
0x173: {  	v2 =	vadd.f32 v3, v2  }
0x174: {  	v1 =	vld.idx.msk [tilespmem:v1+s0+$0xC870 ss:$0x1], $0xffff  }
0x175: {  	v2 =	vadd.f32 v62, v2;
	_ =	sdelay $0x1  }
0x176: {  	v2 =	vadd.f32 v63, v2;
	_ =	sdelay $0x1  }
0x177: {  	s2 =	sshll.u32 s31, $0x4;
	s31 =	sadd.s32 $0x1, s31;
	v1 =	vadd.f32 v1, v2  }
0x178: {  	p0 =	sne.s32 s31, $0x10  }
.Ltmp11:
0x179: {  	v1 =	vmul.f32 $4.999999890e-03, v1;
	(pc) =	sbr.rel @p0 .LBB2_22-.Ltmp11, $4  }
0x17a: {  	_ = 	snop  }
0x17b: {  	v1 =	vadd.f32 v1, v0  }
0x17c: {  	s0 =	sand.u32 $0x3FFFFFF0, s2  }
0x17d: {  	s1 =	sadd.s32 $0xC80, s1;
	[tilespmem:s0+$0x1F400] =	vst v1  }
0x17e: {  	s31 =	simm.s32 $0x0  }
0x17f: {  	[hbm4b:s11+s31] =	stream.linear.scatter [tilespmem:s21], [sflag:$0x3], $0x100, $0x38;
	[tilespmem:$0x1F510] =	vst v63  }
0x180: {  	_ =	swait.ge [sflag:s15], $0x100  }
0x181: {  	[sflag:s15] =	ssyncset.done $0x0  }
0x182: {  	[sflag:s15] =	ssyncadd.s32 $0xFFFFFF00  }
0x183: {  	[tilespmem:s19], [sflag:$0x2] =	stream.indirect.gather [hbm4b:s4+s17], $0x10, s29, s17, $0xb8;
	[tilespmem:$0x1F510] =	vst v63  }
0x184: {  	_ =	swait.ge [sflag:s20], $0xC800  }
0x185: {  	[sflag:s20] =	ssyncset.done $0x0  }
0x186: {  	s1 =	simm.s32 $0x6440;
	[sflag:s20] =	ssyncadd.s32 $0xFFFF3800  }
.LBB2_26:
0x187: {  	v1 =	vmov s1;
	_ =	sdelay $0x3  }
0x188: {  	s0 =	simm.s32 $0x0  }
0x189: {  	v2 =	vld.idx.msk [tilespmem:v1+s0+$0xFFFFFFC0 ss:$0x1], $0xffff;
	_ =	sdelay $0x1  }
0x18a: {  	v3 =	vld.idx.msk [tilespmem:v1+s0+$0xFFFFFFD0 ss:$0x1], $0xffff;
	_ =	sdelay $0x1  }
0x18b: {  	v4 =	vimm.f32 $0.0e+00;
	v5 =	vld.idx.msk [tilespmem:v1+s0+$0xFFFFFFE0 ss:$0x1], $0xffff  }
0x18c: {  	v2 =	vadd.f32 v2, v4  }
0x18d: {  	v4 =	vld.idx.msk [tilespmem:v1+s0+$0xFFFFFFF0 ss:$0x1], $0xffff  }
0x18e: {  	v2 =	vadd.f32 v3, v2  }
0x18f: {  	v6 =	vld.idx.msk [tilespmem:v1+s0+$0x0 ss:$0x1], $0xffff  }
0x190: {  	v3 =	vadd.f32 v5, v2  }
0x191: {  	v2 =	vld.idx.msk [tilespmem:v1+s0+$0x10 ss:$0x1], $0xffff  }
0x192: {  	v4 =	vadd.f32 v4, v3  }
0x193: {  	v3 =	vld.idx.msk [tilespmem:v1+s0+$0x20 ss:$0x1], $0xffff  }
0x194: {  	v5 =	vadd.f32 v6, v4  }
0x195: {  	s2 =	simm.s32 $0x400;
	v4 =	vld.idx.msk [tilespmem:v1+s0+$0x30 ss:$0x1], $0xffff;
	s0 =	simm.s32 $0x80  }
.LBB2_27:
0x196: {  	p0 =	sne.s32 s2, $0x3000;
	v6 =	vld.idx.msk [tilespmem:v1+s0+$0xFFFFFFC0 ss:$0x1], $0xffff;
	v2 =	vadd.f32 v2, v5;
	_ =	sdelay $0x1  }
0x197: {  	v5 =	vld.idx.msk [tilespmem:v1+s0+$0xFFFFFFD0 ss:$0x1], $0xffff;
	v2 =	vadd.f32 v3, v2;
	_ =	sdelay $0x1  }
0x198: {  	v3 =	vld.idx.msk [tilespmem:v1+s0+$0xFFFFFFE0 ss:$0x1], $0xffff;
	v2 =	vadd.f32 v4, v2;
	_ =	sdelay $0x1  }
0x199: {  	v2 =	vadd.f32 v6, v2;
	v4 =	vld.idx.msk [tilespmem:v1+s0+$0xFFFFFFF0 ss:$0x1], $0xffff;
	_ =	sdelay $0x1  }
0x19a: {  	v2 =	vadd.f32 v5, v2;
	v5 =	vld.idx.msk [tilespmem:v1+s0+$0x0 ss:$0x1], $0xffff;
	_ =	sdelay $0x1  }
0x19b: {  	v3 =	vadd.f32 v3, v2;
	v2 =	vld.idx.msk [tilespmem:v1+s0+$0x10 ss:$0x1], $0xffff  }
.Ltmp12:
0x19c: {  	(pc) =	sbr.rel @p0 .LBB2_27-.Ltmp12, $3  }
0x19d: {  	v4 =	vadd.f32 v4, v3;
	v3 =	vld.idx.msk [tilespmem:v1+s0+$0x20 ss:$0x1], $0xffff;
	_ =	sdelay $0x1  }
0x19e: {  	v5 =	vadd.f32 v5, v4;
	v4 =	vld.idx.msk [tilespmem:v1+s0+$0x30 ss:$0x1], $0xffff  }
0x19f: {  	s0 =	sshra.s32 s2, $0x2;
	s2 =	sadd.s32 $0x200, s2  }
0x1a0: {  	_ =	sdelay $0x2  }
0x1a1: {  	v2 =	vadd.f32 v2, v5  }
0x1a2: {  	v59 =	vld.idx.msk [tilespmem:v1+s0+$0xFFFFFFC0 ss:$0x1], $0xffff  }
0x1a3: {  	v2 =	vadd.f32 v3, v2  }
0x1a4: {  	v3 =	vld.idx.msk [tilespmem:v1+s0+$0xFFFFFFD0 ss:$0x1], $0xffff  }
0x1a5: {  	v2 =	vadd.f32 v4, v2  }
0x1a6: {  	v60 =	vld.idx.msk [tilespmem:v1+s0+$0xFFFFFFE0 ss:$0x1], $0xffff  }
0x1a7: {  	v2 =	vadd.f32 v59, v2  }
0x1a8: {  	v61 =	vld.idx.msk [tilespmem:v1+s0+$0xFFFFFFF0 ss:$0x1], $0xffff  }
0x1a9: {  	v2 =	vadd.f32 v3, v2  }
0x1aa: {  	v3 =	vld.idx.msk [tilespmem:v1+s0+$0x0 ss:$0x1], $0xffff  }
0x1ab: {  	v2 =	vadd.f32 v60, v2  }
0x1ac: {  	v62 =	vld.idx.msk [tilespmem:v1+s0+$0x10 ss:$0x1], $0xffff  }
0x1ad: {  	v2 =	vadd.f32 v61, v2  }
0x1ae: {  	v63 =	vld.idx.msk [tilespmem:v1+s0+$0x20 ss:$0x1], $0xffff  }
0x1af: {  	v2 =	vadd.f32 v3, v2  }
0x1b0: {  	v1 =	vld.idx.msk [tilespmem:v1+s0+$0x30 ss:$0x1], $0xffff  }
0x1b1: {  	v2 =	vadd.f32 v62, v2;
	_ =	sdelay $0x1  }
0x1b2: {  	v2 =	vadd.f32 v63, v2;
	_ =	sdelay $0x1  }
0x1b3: {  	s2 =	sshll.u32 s31, $0x4;
	s31 =	sadd.s32 $0x1, s31;
	v1 =	vadd.f32 v1, v2  }
0x1b4: {  	p0 =	sne.s32 s31, $0x10  }
.Ltmp13:
0x1b5: {  	v1 =	vmul.f32 $4.999999890e-03, v1;
	(pc) =	sbr.rel @p0 .LBB2_26-.Ltmp13, $4  }
0x1b6: {  	_ = 	snop  }
0x1b7: {  	v1 =	vadd.f32 v1, v0  }
0x1b8: {  	s0 =	sand.u32 $0x3FFFFFF0, s2  }
0x1b9: {  	s1 =	sadd.s32 $0xC80, s1;
	[tilespmem:s0+$0x1F400] =	vst v1  }
0x1ba: {  	s31 =	simm.s32 $0x0  }
0x1bb: {  	[hbm4b:s12+s31] =	stream.linear.scatter [tilespmem:s21], [sflag:$0x3], $0x100, $0x38;
	[tilespmem:$0x1F510] =	vst v63  }
0x1bc: {  	_ =	swait.ge [sflag:s15], $0x100  }
0x1bd: {  	[sflag:s15] =	ssyncset.done $0x0  }
0x1be: {  	[sflag:s15] =	ssyncadd.s32 $0xFFFFFF00  }
0x1bf: {  	_ =	swait.ge [sflag:s23], $0xC800  }
0x1c0: {  	[sflag:s23] =	ssyncset.done $0x0  }
0x1c1: {  	s1 =	simm.s32 $0x6400;
	[sflag:s23] =	ssyncadd.s32 $0xFFFF3800  }
.LBB2_30:
0x1c2: {  	v1 =	vmov s1;
	_ =	sdelay $0x3  }
0x1c3: {  	s0 =	simm.s32 $0x0  }
0x1c4: {  	v2 =	vld.idx.msk [tilespmem:v1+s0+$0xC800 ss:$0x1], $0xffff;
	_ =	sdelay $0x1  }
0x1c5: {  	v3 =	vld.idx.msk [tilespmem:v1+s0+$0xC810 ss:$0x1], $0xffff;
	_ =	sdelay $0x1  }
0x1c6: {  	v4 =	vimm.f32 $0.0e+00;
	v5 =	vld.idx.msk [tilespmem:v1+s0+$0xC820 ss:$0x1], $0xffff  }
0x1c7: {  	v2 =	vadd.f32 v2, v4  }
0x1c8: {  	v4 =	vld.idx.msk [tilespmem:v1+s0+$0xC830 ss:$0x1], $0xffff  }
0x1c9: {  	v2 =	vadd.f32 v3, v2  }
0x1ca: {  	v6 =	vld.idx.msk [tilespmem:v1+s0+$0xC840 ss:$0x1], $0xffff  }
0x1cb: {  	v3 =	vadd.f32 v5, v2  }
0x1cc: {  	v2 =	vld.idx.msk [tilespmem:v1+s0+$0xC850 ss:$0x1], $0xffff  }
0x1cd: {  	v4 =	vadd.f32 v4, v3  }
0x1ce: {  	v3 =	vld.idx.msk [tilespmem:v1+s0+$0xC860 ss:$0x1], $0xffff  }
0x1cf: {  	v5 =	vadd.f32 v6, v4  }
0x1d0: {  	s2 =	simm.s32 $0x400;
	v4 =	vld.idx.msk [tilespmem:v1+s0+$0xC870 ss:$0x1], $0xffff;
	s0 =	simm.s32 $0x80  }
.LBB2_31:
0x1d1: {  	p0 =	sne.s32 s2, $0x3000;
	v6 =	vld.idx.msk [tilespmem:v1+s0+$0xC800 ss:$0x1], $0xffff;
	v2 =	vadd.f32 v2, v5;
	_ =	sdelay $0x1  }
0x1d2: {  	v5 =	vld.idx.msk [tilespmem:v1+s0+$0xC810 ss:$0x1], $0xffff;
	v2 =	vadd.f32 v3, v2;
	_ =	sdelay $0x1  }
0x1d3: {  	v3 =	vld.idx.msk [tilespmem:v1+s0+$0xC820 ss:$0x1], $0xffff;
	v2 =	vadd.f32 v4, v2;
	_ =	sdelay $0x1  }
0x1d4: {  	v2 =	vadd.f32 v6, v2;
	v4 =	vld.idx.msk [tilespmem:v1+s0+$0xC830 ss:$0x1], $0xffff;
	_ =	sdelay $0x1  }
0x1d5: {  	v2 =	vadd.f32 v5, v2;
	v5 =	vld.idx.msk [tilespmem:v1+s0+$0xC840 ss:$0x1], $0xffff;
	_ =	sdelay $0x1  }
0x1d6: {  	v3 =	vadd.f32 v3, v2;
	v2 =	vld.idx.msk [tilespmem:v1+s0+$0xC850 ss:$0x1], $0xffff  }
.Ltmp14:
0x1d7: {  	(pc) =	sbr.rel @p0 .LBB2_31-.Ltmp14, $3  }
0x1d8: {  	v4 =	vadd.f32 v4, v3;
	v3 =	vld.idx.msk [tilespmem:v1+s0+$0xC860 ss:$0x1], $0xffff;
	_ =	sdelay $0x1  }
0x1d9: {  	v5 =	vadd.f32 v5, v4;
	v4 =	vld.idx.msk [tilespmem:v1+s0+$0xC870 ss:$0x1], $0xffff  }
0x1da: {  	s0 =	sshra.s32 s2, $0x2;
	s2 =	sadd.s32 $0x200, s2  }
0x1db: {  	_ =	sdelay $0x2  }
0x1dc: {  	v2 =	vadd.f32 v2, v5  }
0x1dd: {  	v59 =	vld.idx.msk [tilespmem:v1+s0+$0xC800 ss:$0x1], $0xffff  }
0x1de: {  	v2 =	vadd.f32 v3, v2  }
0x1df: {  	v3 =	vld.idx.msk [tilespmem:v1+s0+$0xC810 ss:$0x1], $0xffff  }
0x1e0: {  	v2 =	vadd.f32 v4, v2  }
0x1e1: {  	v60 =	vld.idx.msk [tilespmem:v1+s0+$0xC820 ss:$0x1], $0xffff  }
0x1e2: {  	v2 =	vadd.f32 v59, v2  }
0x1e3: {  	v61 =	vld.idx.msk [tilespmem:v1+s0+$0xC830 ss:$0x1], $0xffff  }
0x1e4: {  	v2 =	vadd.f32 v3, v2  }
0x1e5: {  	v3 =	vld.idx.msk [tilespmem:v1+s0+$0xC840 ss:$0x1], $0xffff  }
0x1e6: {  	v2 =	vadd.f32 v60, v2  }
0x1e7: {  	v62 =	vld.idx.msk [tilespmem:v1+s0+$0xC850 ss:$0x1], $0xffff  }
0x1e8: {  	v2 =	vadd.f32 v61, v2  }
0x1e9: {  	v63 =	vld.idx.msk [tilespmem:v1+s0+$0xC860 ss:$0x1], $0xffff  }
0x1ea: {  	v2 =	vadd.f32 v3, v2  }
0x1eb: {  	v1 =	vld.idx.msk [tilespmem:v1+s0+$0xC870 ss:$0x1], $0xffff  }
0x1ec: {  	v2 =	vadd.f32 v62, v2;
	_ =	sdelay $0x1  }
0x1ed: {  	v2 =	vadd.f32 v63, v2;
	_ =	sdelay $0x1  }
0x1ee: {  	s2 =	sshll.u32 s31, $0x4;
	s31 =	sadd.s32 $0x1, s31;
	v1 =	vadd.f32 v1, v2  }
0x1ef: {  	p0 =	sne.s32 s31, $0x10  }
.Ltmp15:
0x1f0: {  	v1 =	vmul.f32 $4.999999890e-03, v1;
	(pc) =	sbr.rel @p0 .LBB2_30-.Ltmp15, $4  }
0x1f1: {  	_ = 	snop  }
0x1f2: {  	v1 =	vadd.f32 v1, v0  }
0x1f3: {  	s0 =	sand.u32 $0x3FFFFFF0, s2  }
0x1f4: {  	s1 =	sadd.s32 $0xC80, s1;
	[tilespmem:s0+$0x1F400] =	vst v1  }
0x1f5: {  	s30 =	sadd.s32 $0x1, s30  }
0x1f6: {  	p0 =	sne.s32 s30, s14  }
.Ltmp16:
0x1f7: {  	_ = 	snop;
	(pc) =	sbr.rel @p0 .LBB2_1-.Ltmp16, $4  }
0x1f8: {  	[hbm4b:s13+s3] =	stream.linear.scatter [tilespmem:s21], [sflag:$0x3], $0x100, $0x38;
	[tilespmem:$0x1F510] =	vst v63  }
0x1f9: {  	_ =	swait.ge [sflag:s15], $0x100  }
0x1fa: {  	[sflag:s15] =	ssyncset.done $0x0  }
0x1fb: {  	[sflag:s15] =	ssyncadd.s32 $0xFFFFFF00  }
0x1fc: {  	_ =	sfence.sel $0x180000  }
0x1fd: {  	[bflag:$0x0] =	sbarrier.arrive $0xFFFF  }
0x1fe: {  	_ =	strace $0x90000047  }
0x1ff: {  	s0 =	stileid.u32;
	[bflag:$0x2] =	sbarrier.arrive $0xFFFF  }
0x200: {  	p0 =	sne.s32 s0, $0x0;
	s0 =	rddreg [dreg:$0x2]  }
0x201: {  	s0 =	sadd.s32 @!p0 $0x100000, s0  }
0x202: {  	[sflag:s0] =	ssyncadd.tile.s32 @!p0 $0x1;
	_ =	shalt  }
.Lfunc_end2:
_tile_overlayer_lowered:
.L_overlay_start_2:
0x203: {  	(tag) =	ssettag $0x2  }
0x204: {  	s0 =	rddreg [dreg:$0x0];
	s2 =	stileid.u32  }
0x205: {  	s1 =	rddreg [dreg:$0x1];
	p0 =	sne.s32 s2, $0x0  }
0x206: {  	s3 =	rddreg [dreg:$0x2];
	[bflag:$0x3] =	sbarrier.arrive $0xFFFF;
	s2 =	simm.s32 @!p0 $0x1C03  }
0x207: {  	[timem:s3], [sflag:s2] =	dma.local @!p0 [hbm:s0], s1  }
0x208: {  	s0 =	simm.s32 @!p0 $0x3  }
0x209: {  	_ =	swait.ge @!p0 [sflag:s0], s1  }
0x20a: {  	s1 =	ssub.s32 @!p0 $0x0, s1;
	[sflag:s0] =	ssyncset.done @!p0 $0x0  }
0x20b: {  	[sflag:s0] =	ssyncadd.s32 @!p0 s1  }
0x20c: {  	[bflag:$0x3] =	sbarrier.arrive $0xFFFF  }
0x20d: {  	_ =	shalt  }

</sc_bundles>
